<compile_context>
chip_gen: v7x
topology: tpu7x:2x2x1
jax: 0.10.2.dev20260603
libtpu: 0.0.44.dev20260713+nightly
codegen_flags: <defaults>
</compile_context>

<pallas_src>
import functools

import jax
import jax.numpy as jnp
from jax import lax
from jax.experimental import pallas as pl
from jax.experimental.pallas import tpu as pltpu
from jax.experimental.pallas import tpu_sc as plsc

_B = 320000
_D = 128
_CHUNK = 128
_NCHUNKS = _B // _CHUNK
_NC = 2
_NS = 16
_NW = _NC * _NS
_TPW = _NCHUNKS // _NW
_TAIL = _NCHUNKS - _TPW * _NW
_NB = 6
_GLAG = 3


def _make_gather():
    mesh = plsc.VectorSubcoreMesh(core_axis_name="c", subcore_axis_name="s")

    @functools.partial(
        pl.kernel,
        out_type=jax.ShapeDtypeStruct((_B, _D), jnp.float32),
        mesh=mesh,
        compiler_params=pltpu.CompilerParams(
            disable_bounds_checks=True,
            disable_semaphore_checks=True,
            skip_device_barrier=True,
        ),
        scratch_types=[
            pltpu.VMEM((_NB, _CHUNK), jnp.int32),
            pltpu.VMEM((_NB, _CHUNK, _D), jnp.float32),
            pltpu.SemaphoreType.DMA((_NB,)),
            pltpu.SemaphoreType.DMA((_NB,)),
            pltpu.SemaphoreType.DMA((_NB,)),
        ],
    )
    def gather(px_hbm, idx_hbm, out_hbm, idx_v, rows_v, isem, gsem, wsem):
        wid = lax.axis_index("s") * _NC + lax.axis_index("c")
        c0 = wid * _TPW

        def idx_copy(t, b):
            base = (c0 + t) * _CHUNK
            return pltpu.async_copy(
                idx_hbm.at[pl.ds(base, _CHUNK)], idx_v.at[b], isem.at[b])

        def retire(t, b):
            base = (c0 + t) * _CHUNK
            pltpu.make_async_copy(
                px_hbm.at[idx_v.at[b]], rows_v.at[b], gsem.at[b]).wait()

            @pl.when(t + _NB < _TPW)
            def _():
                idx_copy(t + _NB, b)

            pltpu.async_copy(
                rows_v.at[b], out_hbm.at[pl.ds(base, _CHUNK)], wsem.at[b])

        for b in range(_NB):
            idx_copy(b, b)

        def outer(i, carry):
            tt = i * _NB
            for b in range(_NB):
                t = tt + b
                base = (c0 + t) * _CHUNK

                @pl.when(tt > 0)
                def _(base=base, b=b):
                    pltpu.make_async_copy(
                        rows_v.at[b], out_hbm.at[pl.ds(base, _CHUNK)],
                        wsem.at[b]).wait()

                pltpu.make_async_copy(
                    idx_hbm.at[pl.ds(base, _CHUNK)], idx_v.at[b],
                    isem.at[b]).wait()
                pltpu.async_copy(
                    px_hbm.at[idx_v.at[b]], rows_v.at[b], gsem.at[b])

                @pl.when(t >= _GLAG)
                def _(t=t, b=b):
                    retire(t - _GLAG, (b - _GLAG) % _NB)
            return carry

        lax.fori_loop(0, _TPW // _NB, outer, None)

        for j in range(_GLAG):
            tr = _TPW - _GLAG + j
            retire(tr, tr % _NB)

        for b in range(_NB):
            pltpu.make_async_copy(
                rows_v.at[b], out_hbm.at[pl.ds(b * _CHUNK, _CHUNK)],
                wsem.at[b]).wait()

        @pl.when(wid < _TAIL)
        def _():
            base = (_TPW * _NW + wid) * _CHUNK
            pltpu.sync_copy(idx_hbm.at[pl.ds(base, _CHUNK)], idx_v.at[0])
            pltpu.async_copy(
                px_hbm.at[idx_v.at[0]], rows_v.at[0], gsem.at[0]).wait()
            pltpu.sync_copy(rows_v.at[0], out_hbm.at[pl.ds(base, _CHUNK)])

    return gather


_gather = _make_gather()


def kernel(px, ind_2):
    ind_j = ind_2[:, 1]
    return _gather(px, ind_j)

# --- scband reference (transcript-rebuilt; emitter-appended) ---
"""Pipeline reference for scband-pixlayer-15032385536625 (READ-ONLY COPY).

The authoritative reference and input builder live on the scoring server;
editing this copy changes nothing except your own understanding.
"""

import jax, jax.numpy as jnp
import numpy as np


def setup_inputs(seed: int = 0) -> dict:
    key = jax.random.key(seed)
    k1, k2 = jax.random.split(key)
    px = jax.random.normal(k1, (10000, 128), dtype=jnp.float32)
    ind_2 = jax.random.randint(k2, (320000, 2), 0, 10000, dtype=jnp.int32)
    return {"px": px, "ind_2": ind_2}


def reference(px, ind_2):
    # PIXLayer forward: gather per-pair source-node properties
    ind_j = ind_2[:, 1]
    px_j = jnp.take(px, ind_j, axis=0)
    return px_j

if __name__ == "__main__":
    import jax
    _d = setup_inputs()
    print(jax.jit(kernel)(*tuple(_d.values())))

</pallas_src>

<mosaic_0001>
#map = affine_map<(d0, d1) -> (0, 0)>
#map1 = affine_map<(d0, d1) -> (0)>
module attributes {stable_mosaic.version = 14 : i64} {
  func.func @gather(%arg0: i32, %arg1: i32, %arg2: memref<10000x128xf32, #tpu.memory_space<hbm>>, %arg3: memref<320000xi32, #tpu.memory_space<hbm>>, %arg4: memref<320000x128xf32, #tpu.memory_space<hbm>>, %arg5: memref<6x128xi32, #tpu.memory_space<vmem>>, %arg6: memref<6x128x128xf32, #tpu.memory_space<vmem>>, %arg7: memref<6x!tpu.dma_semaphore, #tpu.memory_space<semaphore_mem>>, %arg8: memref<6x!tpu.dma_semaphore, #tpu.memory_space<semaphore_mem>>, %arg9: memref<6x!tpu.dma_semaphore, #tpu.memory_space<semaphore_mem>>) attributes {dimension_semantics = [#tpu.dimension_semantics<core_parallel>, #tpu.dimension_semantics<subcore_parallel>], iteration_bounds = array<i64: 2, 16>, scalar_prefetch = 0 : i64, scratch_operands = 5 : i64, tpu.core_type = #tpu.core_type<sc_vector_subcore>, window_params = [{transform_indices = #map}, {transform_indices = #map1}, {transform_indices = #map}]} {
    %mul3A = arith.constant 2 : i32
    %mul3A_0 = arith.muli %arg1, %mul3A : i32
    %add3A = arith.addi %mul3A_0, %arg0 : i32
    %mul3A_1 = arith.constant 78 : i32
    %mul3A_2 = arith.muli %add3A, %mul3A_1 : i32
    %add3A_3 = arith.constant 0 : i32
    %add3A_4 = arith.addi %mul3A_2, %add3A_3 : i32
    %mul3A_5 = arith.constant 128 : i32
    %mul3A_6 = arith.muli %add3A_4, %mul3A_5 : i32
    %dma_start3A = arith.constant 0 : i32
    %dma_start3A_7 = arith.constant 0 : i32
    %dma_start3A_8 = arith.constant 0 : i32
    %dma_start3A_9 = tpu.memref_slice %arg5[%dma_start3A, %dma_start3A_8] : memref<6x128xi32, #tpu.memory_space<vmem>> -> memref<1x128xi32, #tpu.memory_space<vmem>>
    %dma_start3A_10 = tpu.memref_squeeze %dma_start3A_9 : memref<1x128xi32, #tpu.memory_space<vmem>> -> memref<128xi32, #tpu.memory_space<vmem>>
    %dma_start3A_11 = tpu.memref_slice %arg3[%mul3A_6] : memref<320000xi32, #tpu.memory_space<hbm>> -> memref<128xi32, #tpu.memory_space<hbm>>
    %dma_start3A_12 = tpu.memref_slice %arg7[%dma_start3A_7] : memref<6x!tpu.dma_semaphore, #tpu.memory_space<semaphore_mem>> -> memref<1x!tpu.dma_semaphore, #tpu.memory_space<semaphore_mem>>
    %dma_start3A_13 = tpu.memref_squeeze %dma_start3A_12 : memref<1x!tpu.dma_semaphore, #tpu.memory_space<semaphore_mem>> -> memref<!tpu.dma_semaphore, #tpu.memory_space<semaphore_mem>>
    %dma_start3A_14 = arith.constant 0 : i32
    %dma_start3A_15 = tpu.memref_slice %arg5[%dma_start3A, %dma_start3A_14] : memref<6x128xi32, #tpu.memory_space<vmem>> -> memref<1x128xi32, #tpu.memory_space<vmem>>
    %dma_start3A_16 = tpu.memref_squeeze %dma_start3A_15 : memref<1x128xi32, #tpu.memory_space<vmem>> -> memref<128xi32, #tpu.memory_space<vmem>>
    %dma_start3A_17 = tpu.memref_slice %arg3[%mul3A_6] : memref<320000xi32, #tpu.memory_space<hbm>> -> memref<128xi32, #tpu.memory_space<hbm>>
    tpu.enqueue_dma source(%dma_start3A_17 : memref<128xi32, #tpu.memory_space<hbm>>) target(%dma_start3A_16 : memref<128xi32, #tpu.memory_space<vmem>>) target_semaphore(%dma_start3A_13 : memref<!tpu.dma_semaphore, #tpu.memory_space<semaphore_mem>>)
    %add3A_18 = arith.constant 1 : i32
    %add3A_19 = arith.addi %mul3A_2, %add3A_18 : i32
    %mul3A_20 = arith.constant 128 : i32
    %mul3A_21 = arith.muli %add3A_19, %mul3A_20 : i32
    %dma_start3A_22 = arith.constant 1 : i32
    %dma_start3A_23 = arith.constant 1 : i32
    %dma_start3A_24 = arith.constant 0 : i32
    %dma_start3A_25 = tpu.memref_slice %arg5[%dma_start3A_22, %dma_start3A_24] : memref<6x128xi32, #tpu.memory_space<vmem>> -> memref<1x128xi32, #tpu.memory_space<vmem>>
    %dma_start3A_26 = tpu.memref_squeeze %dma_start3A_25 : memref<1x128xi32, #tpu.memory_space<vmem>> -> memref<128xi32, #tpu.memory_space<vmem>>
    %dma_start3A_27 = tpu.memref_slice %arg3[%mul3A_21] : memref<320000xi32, #tpu.memory_space<hbm>> -> memref<128xi32, #tpu.memory_space<hbm>>
    %dma_start3A_28 = tpu.memref_slice %arg7[%dma_start3A_23] : memref<6x!tpu.dma_semaphore, #tpu.memory_space<semaphore_mem>> -> memref<1x!tpu.dma_semaphore, #tpu.memory_space<semaphore_mem>>
    %dma_start3A_29 = tpu.memref_squeeze %dma_start3A_28 : memref<1x!tpu.dma_semaphore, #tpu.memory_space<semaphore_mem>> -> memref<!tpu.dma_semaphore, #tpu.memory_space<semaphore_mem>>
    %dma_start3A_30 = arith.constant 0 : i32
    %dma_start3A_31 = tpu.memref_slice %arg5[%dma_start3A_22, %dma_start3A_30] : memref<6x128xi32, #tpu.memory_space<vmem>> -> memref<1x128xi32, #tpu.memory_space<vmem>>
    %dma_start3A_32 = tpu.memref_squeeze %dma_start3A_31 : memref<1x128xi32, #tpu.memory_space<vmem>> -> memref<128xi32, #tpu.memory_space<vmem>>
    %dma_start3A_33 = tpu.memref_slice %arg3[%mul3A_21] : memref<320000xi32, #tpu.memory_space<hbm>> -> memref<128xi32, #tpu.memory_space<hbm>>
    tpu.enqueue_dma source(%dma_start3A_33 : memref<128xi32, #tpu.memory_space<hbm>>) target(%dma_start3A_32 : memref<128xi32, #tpu.memory_space<vmem>>) target_semaphore(%dma_start3A_29 : memref<!tpu.dma_semaphore, #tpu.memory_space<semaphore_mem>>)
    %add3A_34 = arith.constant 2 : i32
    %add3A_35 = arith.addi %mul3A_2, %add3A_34 : i32
    %mul3A_36 = arith.constant 128 : i32
    %mul3A_37 = arith.muli %add3A_35, %mul3A_36 : i32
    %dma_start3A_38 = arith.constant 2 : i32
    %dma_start3A_39 = arith.constant 2 : i32
    %dma_start3A_40 = arith.constant 0 : i32
    %dma_start3A_41 = tpu.memref_slice %arg5[%dma_start3A_38, %dma_start3A_40] : memref<6x128xi32, #tpu.memory_space<vmem>> -> memref<1x128xi32, #tpu.memory_space<vmem>>
    %dma_start3A_42 = tpu.memref_squeeze %dma_start3A_41 : memref<1x128xi32, #tpu.memory_space<vmem>> -> memref<128xi32, #tpu.memory_space<vmem>>
    %dma_start3A_43 = tpu.memref_slice %arg3[%mul3A_37] : memref<320000xi32, #tpu.memory_space<hbm>> -> memref<128xi32, #tpu.memory_space<hbm>>
    %dma_start3A_44 = tpu.memref_slice %arg7[%dma_start3A_39] : memref<6x!tpu.dma_semaphore, #tpu.memory_space<semaphore_mem>> -> memref<1x!tpu.dma_semaphore, #tpu.memory_space<semaphore_mem>>
    %dma_start3A_45 = tpu.memref_squeeze %dma_start3A_44 : memref<1x!tpu.dma_semaphore, #tpu.memory_space<semaphore_mem>> -> memref<!tpu.dma_semaphore, #tpu.memory_space<semaphore_mem>>
    %dma_start3A_46 = arith.constant 0 : i32
    %dma_start3A_47 = tpu.memref_slice %arg5[%dma_start3A_38, %dma_start3A_46] : memref<6x128xi32, #tpu.memory_space<vmem>> -> memref<1x128xi32, #tpu.memory_space<vmem>>
    %dma_start3A_48 = tpu.memref_squeeze %dma_start3A_47 : memref<1x128xi32, #tpu.memory_space<vmem>> -> memref<128xi32, #tpu.memory_space<vmem>>
    %dma_start3A_49 = tpu.memref_slice %arg3[%mul3A_37] : memref<320000xi32, #tpu.memory_space<hbm>> -> memref<128xi32, #tpu.memory_space<hbm>>
    tpu.enqueue_dma source(%dma_start3A_49 : memref<128xi32, #tpu.memory_space<hbm>>) target(%dma_start3A_48 : memref<128xi32, #tpu.memory_space<vmem>>) target_semaphore(%dma_start3A_45 : memref<!tpu.dma_semaphore, #tpu.memory_space<semaphore_mem>>)
    %add3A_50 = arith.constant 3 : i32
    %add3A_51 = arith.addi %mul3A_2, %add3A_50 : i32
    %mul3A_52 = arith.constant 128 : i32
    %mul3A_53 = arith.muli %add3A_51, %mul3A_52 : i32
    %dma_start3A_54 = arith.constant 3 : i32
    %dma_start3A_55 = arith.constant 3 : i32
    %dma_start3A_56 = arith.constant 0 : i32
    %dma_start3A_57 = tpu.memref_slice %arg5[%dma_start3A_54, %dma_start3A_56] : memref<6x128xi32, #tpu.memory_space<vmem>> -> memref<1x128xi32, #tpu.memory_space<vmem>>
    %dma_start3A_58 = tpu.memref_squeeze %dma_start3A_57 : memref<1x128xi32, #tpu.memory_space<vmem>> -> memref<128xi32, #tpu.memory_space<vmem>>
    %dma_start3A_59 = tpu.memref_slice %arg3[%mul3A_53] : memref<320000xi32, #tpu.memory_space<hbm>> -> memref<128xi32, #tpu.memory_space<hbm>>
    %dma_start3A_60 = tpu.memref_slice %arg7[%dma_start3A_55] : memref<6x!tpu.dma_semaphore, #tpu.memory_space<semaphore_mem>> -> memref<1x!tpu.dma_semaphore, #tpu.memory_space<semaphore_mem>>
    %dma_start3A_61 = tpu.memref_squeeze %dma_start3A_60 : memref<1x!tpu.dma_semaphore, #tpu.memory_space<semaphore_mem>> -> memref<!tpu.dma_semaphore, #tpu.memory_space<semaphore_mem>>
    %dma_start3A_62 = arith.constant 0 : i32
    %dma_start3A_63 = tpu.memref_slice %arg5[%dma_start3A_54, %dma_start3A_62] : memref<6x128xi32, #tpu.memory_space<vmem>> -> memref<1x128xi32, #tpu.memory_space<vmem>>
    %dma_start3A_64 = tpu.memref_squeeze %dma_start3A_63 : memref<1x128xi32, #tpu.memory_space<vmem>> -> memref<128xi32, #tpu.memory_space<vmem>>
    %dma_start3A_65 = tpu.memref_slice %arg3[%mul3A_53] : memref<320000xi32, #tpu.memory_space<hbm>> -> memref<128xi32, #tpu.memory_space<hbm>>
    tpu.enqueue_dma source(%dma_start3A_65 : memref<128xi32, #tpu.memory_space<hbm>>) target(%dma_start3A_64 : memref<128xi32, #tpu.memory_space<vmem>>) target_semaphore(%dma_start3A_61 : memref<!tpu.dma_semaphore, #tpu.memory_space<semaphore_mem>>)
    %add3A_66 = arith.constant 4 : i32
    %add3A_67 = arith.addi %mul3A_2, %add3A_66 : i32
    %mul3A_68 = arith.constant 128 : i32
    %mul3A_69 = arith.muli %add3A_67, %mul3A_68 : i32
    %dma_start3A_70 = arith.constant 4 : i32
    %dma_start3A_71 = arith.constant 4 : i32
    %dma_start3A_72 = arith.constant 0 : i32
    %dma_start3A_73 = tpu.memref_slice %arg5[%dma_start3A_70, %dma_start3A_72] : memref<6x128xi32, #tpu.memory_space<vmem>> -> memref<1x128xi32, #tpu.memory_space<vmem>>
    %dma_start3A_74 = tpu.memref_squeeze %dma_start3A_73 : memref<1x128xi32, #tpu.memory_space<vmem>> -> memref<128xi32, #tpu.memory_space<vmem>>
    %dma_start3A_75 = tpu.memref_slice %arg3[%mul3A_69] : memref<320000xi32, #tpu.memory_space<hbm>> -> memref<128xi32, #tpu.memory_space<hbm>>
    %dma_start3A_76 = tpu.memref_slice %arg7[%dma_start3A_71] : memref<6x!tpu.dma_semaphore, #tpu.memory_space<semaphore_mem>> -> memref<1x!tpu.dma_semaphore, #tpu.memory_space<semaphore_mem>>
    %dma_start3A_77 = tpu.memref_squeeze %dma_start3A_76 : memref<1x!tpu.dma_semaphore, #tpu.memory_space<semaphore_mem>> -> memref<!tpu.dma_semaphore, #tpu.memory_space<semaphore_mem>>
    %dma_start3A_78 = arith.constant 0 : i32
    %dma_start3A_79 = tpu.memref_slice %arg5[%dma_start3A_70, %dma_start3A_78] : memref<6x128xi32, #tpu.memory_space<vmem>> -> memref<1x128xi32, #tpu.memory_space<vmem>>
    %dma_start3A_80 = tpu.memref_squeeze %dma_start3A_79 : memref<1x128xi32, #tpu.memory_space<vmem>> -> memref<128xi32, #tpu.memory_space<vmem>>
    %dma_start3A_81 = tpu.memref_slice %arg3[%mul3A_69] : memref<320000xi32, #tpu.memory_space<hbm>> -> memref<128xi32, #tpu.memory_space<hbm>>
    tpu.enqueue_dma source(%dma_start3A_81 : memref<128xi32, #tpu.memory_space<hbm>>) target(%dma_start3A_80 : memref<128xi32, #tpu.memory_space<vmem>>) target_semaphore(%dma_start3A_77 : memref<!tpu.dma_semaphore, #tpu.memory_space<semaphore_mem>>)
    %add3A_82 = arith.constant 5 : i32
    %add3A_83 = arith.addi %mul3A_2, %add3A_82 : i32
    %mul3A_84 = arith.constant 128 : i32
    %mul3A_85 = arith.muli %add3A_83, %mul3A_84 : i32
    %dma_start3A_86 = arith.constant 5 : i32
    %dma_start3A_87 = arith.constant 5 : i32
    %dma_start3A_88 = arith.constant 0 : i32
    %dma_start3A_89 = tpu.memref_slice %arg5[%dma_start3A_86, %dma_start3A_88] : memref<6x128xi32, #tpu.memory_space<vmem>> -> memref<1x128xi32, #tpu.memory_space<vmem>>
    %dma_start3A_90 = tpu.memref_squeeze %dma_start3A_89 : memref<1x128xi32, #tpu.memory_space<vmem>> -> memref<128xi32, #tpu.memory_space<vmem>>
    %dma_start3A_91 = tpu.memref_slice %arg3[%mul3A_85] : memref<320000xi32, #tpu.memory_space<hbm>> -> memref<128xi32, #tpu.memory_space<hbm>>
    %dma_start3A_92 = tpu.memref_slice %arg7[%dma_start3A_87] : memref<6x!tpu.dma_semaphore, #tpu.memory_space<semaphore_mem>> -> memref<1x!tpu.dma_semaphore, #tpu.memory_space<semaphore_mem>>
    %dma_start3A_93 = tpu.memref_squeeze %dma_start3A_92 : memref<1x!tpu.dma_semaphore, #tpu.memory_space<semaphore_mem>> -> memref<!tpu.dma_semaphore, #tpu.memory_space<semaphore_mem>>
    %dma_start3A_94 = arith.constant 0 : i32
    %dma_start3A_95 = tpu.memref_slice %arg5[%dma_start3A_86, %dma_start3A_94] : memref<6x128xi32, #tpu.memory_space<vmem>> -> memref<1x128xi32, #tpu.memory_space<vmem>>
    %dma_start3A_96 = tpu.memref_squeeze %dma_start3A_95 : memref<1x128xi32, #tpu.memory_space<vmem>> -> memref<128xi32, #tpu.memory_space<vmem>>
    %dma_start3A_97 = tpu.memref_slice %arg3[%mul3A_85] : memref<320000xi32, #tpu.memory_space<hbm>> -> memref<128xi32, #tpu.memory_space<hbm>>
    tpu.enqueue_dma source(%dma_start3A_97 : memref<128xi32, #tpu.memory_space<hbm>>) target(%dma_start3A_96 : memref<128xi32, #tpu.memory_space<vmem>>) target_semaphore(%dma_start3A_93 : memref<!tpu.dma_semaphore, #tpu.memory_space<semaphore_mem>>)
    %scan3A = arith.constant 0 : i32
    %scan3A_98 = arith.constant 13 : i32
    %scan3A_99 = arith.addi %scan3A, %scan3A_98 : i32
    %scan3A_100 = arith.constant 1 : i32
    scf.for %scan3A_316 = %scan3A to %scan3A_99 step %scan3A_100  : i32 {
      %mul3A_317 = arith.constant 6 : i32
      %mul3A_318 = arith.muli %scan3A_316, %mul3A_317 : i32
      %add3A_319 = arith.constant 0 : i32
      %add3A_320 = arith.addi %mul3A_318, %add3A_319 : i32
      %add3A_321 = arith.addi %mul3A_2, %add3A_320 : i32
      %mul3A_322 = arith.constant 128 : i32
      %mul3A_323 = arith.muli %add3A_321, %mul3A_322 : i32
      %gt3A = arith.constant 0 : i32
      %gt3A_324 = arith.cmpi sgt, %mul3A_318, %gt3A : i32
      %convert_element_type3A_325 = arith.extui %gt3A_324 : i1 to i32
      %cond3A_326 = arith.constant 0 : i32
      %cond3A_327 = arith.cmpi ne, %convert_element_type3A_325, %cond3A_326 : i32
      scf.if %cond3A_327 {
        %dma_wait3A_569 = arith.constant 0 : i32
        %dma_wait3A_570 = arith.constant 0 : i32
        %dma_wait3A_571 = arith.constant 0 : i32
        %dma_wait3A_572 = arith.constant 0 : i32
        %dma_wait3A_573 = tpu.memref_slice %arg6[%dma_wait3A_569, %dma_wait3A_571, %dma_wait3A_572] : memref<6x128x128xf32, #tpu.memory_space<vmem>> -> memref<1x128x128xf32, #tpu.memory_space<vmem>>
        %dma_wait3A_574 = tpu.memref_squeeze %dma_wait3A_573 : memref<1x128x128xf32, #tpu.memory_space<vmem>> -> memref<128x128xf32, #tpu.memory_space<vmem>>
        %dma_wait3A_575 = arith.constant 0 : i32
        %dma_wait3A_576 = tpu.memref_slice %arg4[%mul3A_323, %dma_wait3A_575] : memref<320000x128xf32, #tpu.memory_space<hbm>> -> memref<128x128xf32, #tpu.memory_space<hbm>>
        %dma_wait3A_577 = tpu.memref_slice %arg9[%dma_wait3A_570] : memref<6x!tpu.dma_semaphore, #tpu.memory_space<semaphore_mem>> -> memref<1x!tpu.dma_semaphore, #tpu.memory_space<semaphore_mem>>
        %dma_wait3A_578 = tpu.memref_squeeze %dma_wait3A_577 : memref<1x!tpu.dma_semaphore, #tpu.memory_space<semaphore_mem>> -> memref<!tpu.dma_semaphore, #tpu.memory_space<semaphore_mem>>
        %dma_wait3A_579 = arith.constant 0 : i32
        %dma_wait3A_580 = tpu.memref_slice %arg4[%mul3A_323, %dma_wait3A_579] : memref<320000x128xf32, #tpu.memory_space<hbm>> -> memref<128x128xf32, #tpu.memory_space<hbm>>
        %dma_wait3A_581 = arith.constant 0 : i32
        %dma_wait3A_582 = arith.constant 0 : i32
        %dma_wait3A_583 = tpu.memref_slice %arg6[%dma_wait3A_569, %dma_wait3A_581, %dma_wait3A_582] : memref<6x128x128xf32, #tpu.memory_space<vmem>> -> memref<1x128x128xf32, #tpu.memory_space<vmem>>
        %dma_wait3A_584 = tpu.memref_squeeze %dma_wait3A_583 : memref<1x128x128xf32, #tpu.memory_space<vmem>> -> memref<128x128xf32, #tpu.memory_space<vmem>>
        tpu.wait_dma2 semaphore(%dma_wait3A_578 : memref<!tpu.dma_semaphore, #tpu.memory_space<semaphore_mem>>) src(%dma_wait3A_584 : memref<128x128xf32, #tpu.memory_space<vmem>>) dst(%dma_wait3A_580 : memref<128x128xf32, #tpu.memory_space<hbm>>)
      } else {
      }
      %dma_wait3A_328 = arith.constant 0 : i32
      %dma_wait3A_329 = arith.constant 0 : i32
      %dma_wait3A_330 = arith.constant 0 : i32
      %dma_wait3A_331 = tpu.memref_slice %arg5[%dma_wait3A_328, %dma_wait3A_330] : memref<6x128xi32, #tpu.memory_space<vmem>> -> memref<1x128xi32, #tpu.memory_space<vmem>>
      %dma_wait3A_332 = tpu.memref_squeeze %dma_wait3A_331 : memref<1x128xi32, #tpu.memory_space<vmem>> -> memref<128xi32, #tpu.memory_space<vmem>>
      %dma_wait3A_333 = tpu.memref_slice %arg3[%mul3A_323] : memref<320000xi32, #tpu.memory_space<hbm>> -> memref<128xi32, #tpu.memory_space<hbm>>
      %dma_wait3A_334 = tpu.memref_slice %arg7[%dma_wait3A_329] : memref<6x!tpu.dma_semaphore, #tpu.memory_space<semaphore_mem>> -> memref<1x!tpu.dma_semaphore, #tpu.memory_space<semaphore_mem>>
      %dma_wait3A_335 = tpu.memref_squeeze %dma_wait3A_334 : memref<1x!tpu.dma_semaphore, #tpu.memory_space<semaphore_mem>> -> memref<!tpu.dma_semaphore, #tpu.memory_space<semaphore_mem>>
      %dma_wait3A_336 = arith.constant 0 : i32
      %dma_wait3A_337 = tpu.memref_slice %arg5[%dma_wait3A_328, %dma_wait3A_336] : memref<6x128xi32, #tpu.memory_space<vmem>> -> memref<1x128xi32, #tpu.memory_space<vmem>>
      %dma_wait3A_338 = tpu.memref_squeeze %dma_wait3A_337 : memref<1x128xi32, #tpu.memory_space<vmem>> -> memref<128xi32, #tpu.memory_space<vmem>>
      %dma_wait3A_339 = tpu.memref_slice %arg3[%mul3A_323] : memref<320000xi32, #tpu.memory_space<hbm>> -> memref<128xi32, #tpu.memory_space<hbm>>
      tpu.wait_dma2 semaphore(%dma_wait3A_335 : memref<!tpu.dma_semaphore, #tpu.memory_space<semaphore_mem>>) src(%dma_wait3A_339 : memref<128xi32, #tpu.memory_space<hbm>>) dst(%dma_wait3A_338 : memref<128xi32, #tpu.memory_space<vmem>>)
      %dma_start3A_340 = arith.constant 0 : i32
      %dma_start3A_341 = arith.constant 0 : i32
      %dma_start3A_342 = arith.constant 0 : i32
      %dma_start3A_343 = arith.constant 0 : i32
      %dma_start3A_344 = arith.constant 0 : i32
      %dma_start3A_345 = tpu.memref_slice %arg6[%dma_start3A_341, %dma_start3A_343, %dma_start3A_344] : memref<6x128x128xf32, #tpu.memory_space<vmem>> -> memref<1x128x128xf32, #tpu.memory_space<vmem>>
      %dma_start3A_346 = tpu.memref_squeeze %dma_start3A_345 : memref<1x128x128xf32, #tpu.memory_space<vmem>> -> memref<128x128xf32, #tpu.memory_space<vmem>>
      %dma_start3A_347 = arith.constant 0 : i32
      %dma_start3A_348 = tpu.memref_slice %arg5[%dma_start3A_340, %dma_start3A_347] : memref<6x128xi32, #tpu.memory_space<vmem>> -> memref<1x128xi32, #tpu.memory_space<vmem>>
      %dma_start3A_349 = tpu.memref_squeeze %dma_start3A_348 : memref<1x128xi32, #tpu.memory_space<vmem>> -> memref<128xi32, #tpu.memory_space<vmem>>
      %dma_start3A_350 = arith.constant 0 : i32
      %dma_start3A_351 = arith.constant 0 : i32
      %dma_start3A_352 = tpu.memref_slice %arg2[%dma_start3A_350, %dma_start3A_351] : memref<10000x128xf32, #tpu.memory_space<hbm>> -> memref<10000x128xf32, #tpu.memory_space<hbm>>
      %dma_start3A_353 = tpu.memref_slice %arg8[%dma_start3A_342] : memref<6x!tpu.dma_semaphore, #tpu.memory_space<semaphore_mem>> -> memref<1x!tpu.dma_semaphore, #tpu.memory_space<semaphore_mem>>
      %dma_start3A_354 = tpu.memref_squeeze %dma_start3A_353 : memref<1x!tpu.dma_semaphore, #tpu.memory_space<semaphore_mem>> -> memref<!tpu.dma_semaphore, #tpu.memory_space<semaphore_mem>>
      tpu.enqueue_indirect_dma source(%dma_start3A_352 : memref<10000x128xf32, #tpu.memory_space<hbm>>) target(%dma_start3A_346 : memref<128x128xf32, #tpu.memory_space<vmem>>) offsets(%dma_start3A_349 : memref<128xi32, #tpu.memory_space<vmem>>) semaphore(%dma_start3A_354 : memref<!tpu.dma_semaphore, #tpu.memory_space<semaphore_mem>>)
      %ge3A = arith.constant 3 : i32
      %ge3A_355 = arith.cmpi sge, %add3A_320, %ge3A : i32
      %convert_element_type3A_356 = arith.extui %ge3A_355 : i1 to i32
      %cond3A_357 = arith.constant 0 : i32
      %cond3A_358 = arith.cmpi ne, %convert_element_type3A_356, %cond3A_357 : i32
      scf.if %cond3A_358 {
        %sub3A = arith.constant 3 : i32
        %sub3A_569 = arith.subi %add3A_320, %sub3A : i32
        %add3A_570 = arith.addi %mul3A_2, %sub3A_569 : i32
        %mul3A_571 = arith.constant 128 : i32
        %mul3A_572 = arith.muli %add3A_570, %mul3A_571 : i32
        %dma_wait3A_573 = arith.constant 3 : i32
        %dma_wait3A_574 = arith.constant 3 : i32
        %dma_wait3A_575 = arith.constant 3 : i32
        %dma_wait3A_576 = arith.constant 0 : i32
        %dma_wait3A_577 = arith.constant 0 : i32
        %dma_wait3A_578 = tpu.memref_slice %arg6[%dma_wait3A_574, %dma_wait3A_576, %dma_wait3A_577] : memref<6x128x128xf32, #tpu.memory_space<vmem>> -> memref<1x128x128xf32, #tpu.memory_space<vmem>>
        %dma_wait3A_579 = tpu.memref_squeeze %dma_wait3A_578 : memref<1x128x128xf32, #tpu.memory_space<vmem>> -> memref<128x128xf32, #tpu.memory_space<vmem>>
        %dma_wait3A_580 = arith.constant 0 : i32
        %dma_wait3A_581 = tpu.memref_slice %arg5[%dma_wait3A_573, %dma_wait3A_580] : memref<6x128xi32, #tpu.memory_space<vmem>> -> memref<1x128xi32, #tpu.memory_space<vmem>>
        %dma_wait3A_582 = tpu.memref_squeeze %dma_wait3A_581 : memref<1x128xi32, #tpu.memory_space<vmem>> -> memref<128xi32, #tpu.memory_space<vmem>>
        %dma_wait3A_583 = arith.constant 0 : i32
        %dma_wait3A_584 = arith.constant 0 : i32
        %dma_wait3A_585 = tpu.memref_slice %arg2[%dma_wait3A_583, %dma_wait3A_584] : memref<10000x128xf32, #tpu.memory_space<hbm>> -> memref<10000x128xf32, #tpu.memory_space<hbm>>
        %dma_wait3A_586 = tpu.memref_slice %arg8[%dma_wait3A_575] : memref<6x!tpu.dma_semaphore, #tpu.memory_space<semaphore_mem>> -> memref<1x!tpu.dma_semaphore, #tpu.memory_space<semaphore_mem>>
        %dma_wait3A_587 = tpu.memref_squeeze %dma_wait3A_586 : memref<1x!tpu.dma_semaphore, #tpu.memory_space<semaphore_mem>> -> memref<!tpu.dma_semaphore, #tpu.memory_space<semaphore_mem>>
        tpu.wait_indirect_dma semaphore(%dma_wait3A_587 : memref<!tpu.dma_semaphore, #tpu.memory_space<semaphore_mem>>) src(%dma_wait3A_585 : memref<10000x128xf32, #tpu.memory_space<hbm>>) dst(%dma_wait3A_579 : memref<128x128xf32, #tpu.memory_space<vmem>>)
        %add3A_588 = arith.constant 6 : i32
        %add3A_589 = arith.addi %sub3A_569, %add3A_588 : i32
        %lt3A_590 = arith.constant 78 : i32
        %lt3A_591 = arith.cmpi slt, %add3A_589, %lt3A_590 : i32
        %convert_element_type3A_592 = arith.extui %lt3A_591 : i1 to i32
        %cond3A_593 = arith.constant 0 : i32
        %cond3A_594 = arith.cmpi ne, %convert_element_type3A_592, %cond3A_593 : i32
        scf.if %cond3A_594 {
          %add3A_611 = arith.constant 6 : i32
          %add3A_612 = arith.addi %sub3A_569, %add3A_611 : i32
          %add3A_613 = arith.addi %mul3A_2, %add3A_612 : i32
          %mul3A_614 = arith.constant 128 : i32
          %mul3A_615 = arith.muli %add3A_613, %mul3A_614 : i32
          %dma_start3A_616 = arith.constant 3 : i32
          %dma_start3A_617 = arith.constant 3 : i32
          %dma_start3A_618 = arith.constant 0 : i32
          %dma_start3A_619 = tpu.memref_slice %arg5[%dma_start3A_616, %dma_start3A_618] : memref<6x128xi32, #tpu.memory_space<vmem>> -> memref<1x128xi32, #tpu.memory_space<vmem>>
          %dma_start3A_620 = tpu.memref_squeeze %dma_start3A_619 : memref<1x128xi32, #tpu.memory_space<vmem>> -> memref<128xi32, #tpu.memory_space<vmem>>
          %dma_start3A_621 = tpu.memref_slice %arg3[%mul3A_615] : memref<320000xi32, #tpu.memory_space<hbm>> -> memref<128xi32, #tpu.memory_space<hbm>>
          %dma_start3A_622 = tpu.memref_slice %arg7[%dma_start3A_617] : memref<6x!tpu.dma_semaphore, #tpu.memory_space<semaphore_mem>> -> memref<1x!tpu.dma_semaphore, #tpu.memory_space<semaphore_mem>>
          %dma_start3A_623 = tpu.memref_squeeze %dma_start3A_622 : memref<1x!tpu.dma_semaphore, #tpu.memory_space<semaphore_mem>> -> memref<!tpu.dma_semaphore, #tpu.memory_space<semaphore_mem>>
          %dma_start3A_624 = arith.constant 0 : i32
          %dma_start3A_625 = tpu.memref_slice %arg5[%dma_start3A_616, %dma_start3A_624] : memref<6x128xi32, #tpu.memory_space<vmem>> -> memref<1x128xi32, #tpu.memory_space<vmem>>
          %dma_start3A_626 = tpu.memref_squeeze %dma_start3A_625 : memref<1x128xi32, #tpu.memory_space<vmem>> -> memref<128xi32, #tpu.memory_space<vmem>>
          %dma_start3A_627 = tpu.memref_slice %arg3[%mul3A_615] : memref<320000xi32, #tpu.memory_space<hbm>> -> memref<128xi32, #tpu.memory_space<hbm>>
          tpu.enqueue_dma source(%dma_start3A_627 : memref<128xi32, #tpu.memory_space<hbm>>) target(%dma_start3A_626 : memref<128xi32, #tpu.memory_space<vmem>>) target_semaphore(%dma_start3A_623 : memref<!tpu.dma_semaphore, #tpu.memory_space<semaphore_mem>>)
        } else {
        }
        %dma_start3A_595 = arith.constant 3 : i32
        %dma_start3A_596 = arith.constant 3 : i32
        %dma_start3A_597 = arith.constant 0 : i32
        %dma_start3A_598 = arith.constant 0 : i32
        %dma_start3A_599 = tpu.memref_slice %arg6[%dma_start3A_595, %dma_start3A_597, %dma_start3A_598] : memref<6x128x128xf32, #tpu.memory_space<vmem>> -> memref<1x128x128xf32, #tpu.memory_space<vmem>>
        %dma_start3A_600 = tpu.memref_squeeze %dma_start3A_599 : memref<1x128x128xf32, #tpu.memory_space<vmem>> -> memref<128x128xf32, #tpu.memory_space<vmem>>
        %dma_start3A_601 = arith.constant 0 : i32
        %dma_start3A_602 = tpu.memref_slice %arg4[%mul3A_572, %dma_start3A_601] : memref<320000x128xf32, #tpu.memory_space<hbm>> -> memref<128x128xf32, #tpu.memory_space<hbm>>
        %dma_start3A_603 = tpu.memref_slice %arg9[%dma_start3A_596] : memref<6x!tpu.dma_semaphore, #tpu.memory_space<semaphore_mem>> -> memref<1x!tpu.dma_semaphore, #tpu.memory_space<semaphore_mem>>
        %dma_start3A_604 = tpu.memref_squeeze %dma_start3A_603 : memref<1x!tpu.dma_semaphore, #tpu.memory_space<semaphore_mem>> -> memref<!tpu.dma_semaphore, #tpu.memory_space<semaphore_mem>>
        %dma_start3A_605 = arith.constant 0 : i32
        %dma_start3A_606 = tpu.memref_slice %arg4[%mul3A_572, %dma_start3A_605] : memref<320000x128xf32, #tpu.memory_space<hbm>> -> memref<128x128xf32, #tpu.memory_space<hbm>>
        %dma_start3A_607 = arith.constant 0 : i32
        %dma_start3A_608 = arith.constant 0 : i32
        %dma_start3A_609 = tpu.memref_slice %arg6[%dma_start3A_595, %dma_start3A_607, %dma_start3A_608] : memref<6x128x128xf32, #tpu.memory_space<vmem>> -> memref<1x128x128xf32, #tpu.memory_space<vmem>>
        %dma_start3A_610 = tpu.memref_squeeze %dma_start3A_609 : memref<1x128x128xf32, #tpu.memory_space<vmem>> -> memref<128x128xf32, #tpu.memory_space<vmem>>
        tpu.enqueue_dma source(%dma_start3A_610 : memref<128x128xf32, #tpu.memory_space<vmem>>) target(%dma_start3A_606 : memref<128x128xf32, #tpu.memory_space<hbm>>) target_semaphore(%dma_start3A_604 : memref<!tpu.dma_semaphore, #tpu.memory_space<semaphore_mem>>)
      } else {
      }
      %add3A_359 = arith.constant 1 : i32
      %add3A_360 = arith.addi %mul3A_318, %add3A_359 : i32
      %add3A_361 = arith.addi %mul3A_2, %add3A_360 : i32
      %mul3A_362 = arith.constant 128 : i32
      %mul3A_363 = arith.muli %add3A_361, %mul3A_362 : i32
      %gt3A_364 = arith.constant 0 : i32
      %gt3A_365 = arith.cmpi sgt, %mul3A_318, %gt3A_364 : i32
      %convert_element_type3A_366 = arith.extui %gt3A_365 : i1 to i32
      %cond3A_367 = arith.constant 0 : i32
      %cond3A_368 = arith.cmpi ne, %convert_element_type3A_366, %cond3A_367 : i32
      scf.if %cond3A_368 {
        %dma_wait3A_569 = arith.constant 1 : i32
        %dma_wait3A_570 = arith.constant 1 : i32
        %dma_wait3A_571 = arith.constant 0 : i32
        %dma_wait3A_572 = arith.constant 0 : i32
        %dma_wait3A_573 = tpu.memref_slice %arg6[%dma_wait3A_569, %dma_wait3A_571, %dma_wait3A_572] : memref<6x128x128xf32, #tpu.memory_space<vmem>> -> memref<1x128x128xf32, #tpu.memory_space<vmem>>
        %dma_wait3A_574 = tpu.memref_squeeze %dma_wait3A_573 : memref<1x128x128xf32, #tpu.memory_space<vmem>> -> memref<128x128xf32, #tpu.memory_space<vmem>>
        %dma_wait3A_575 = arith.constant 0 : i32
        %dma_wait3A_576 = tpu.memref_slice %arg4[%mul3A_363, %dma_wait3A_575] : memref<320000x128xf32, #tpu.memory_space<hbm>> -> memref<128x128xf32, #tpu.memory_space<hbm>>
        %dma_wait3A_577 = tpu.memref_slice %arg9[%dma_wait3A_570] : memref<6x!tpu.dma_semaphore, #tpu.memory_space<semaphore_mem>> -> memref<1x!tpu.dma_semaphore, #tpu.memory_space<semaphore_mem>>
        %dma_wait3A_578 = tpu.memref_squeeze %dma_wait3A_577 : memref<1x!tpu.dma_semaphore, #tpu.memory_space<semaphore_mem>> -> memref<!tpu.dma_semaphore, #tpu.memory_space<semaphore_mem>>
        %dma_wait3A_579 = arith.constant 0 : i32
        %dma_wait3A_580 = tpu.memref_slice %arg4[%mul3A_363, %dma_wait3A_579] : memref<320000x128xf32, #tpu.memory_space<hbm>> -> memref<128x128xf32, #tpu.memory_space<hbm>>
        %dma_wait3A_581 = arith.constant 0 : i32
        %dma_wait3A_582 = arith.constant 0 : i32
        %dma_wait3A_583 = tpu.memref_slice %arg6[%dma_wait3A_569, %dma_wait3A_581, %dma_wait3A_582] : memref<6x128x128xf32, #tpu.memory_space<vmem>> -> memref<1x128x128xf32, #tpu.memory_space<vmem>>
        %dma_wait3A_584 = tpu.memref_squeeze %dma_wait3A_583 : memref<1x128x128xf32, #tpu.memory_space<vmem>> -> memref<128x128xf32, #tpu.memory_space<vmem>>
        tpu.wait_dma2 semaphore(%dma_wait3A_578 : memref<!tpu.dma_semaphore, #tpu.memory_space<semaphore_mem>>) src(%dma_wait3A_584 : memref<128x128xf32, #tpu.memory_space<vmem>>) dst(%dma_wait3A_580 : memref<128x128xf32, #tpu.memory_space<hbm>>)
      } else {
      }
      %dma_wait3A_369 = arith.constant 1 : i32
      %dma_wait3A_370 = arith.constant 1 : i32
      %dma_wait3A_371 = arith.constant 0 : i32
      %dma_wait3A_372 = tpu.memref_slice %arg5[%dma_wait3A_369, %dma_wait3A_371] : memref<6x128xi32, #tpu.memory_space<vmem>> -> memref<1x128xi32, #tpu.memory_space<vmem>>
      %dma_wait3A_373 = tpu.memref_squeeze %dma_wait3A_372 : memref<1x128xi32, #tpu.memory_space<vmem>> -> memref<128xi32, #tpu.memory_space<vmem>>
      %dma_wait3A_374 = tpu.memref_slice %arg3[%mul3A_363] : memref<320000xi32, #tpu.memory_space<hbm>> -> memref<128xi32, #tpu.memory_space<hbm>>
      %dma_wait3A_375 = tpu.memref_slice %arg7[%dma_wait3A_370] : memref<6x!tpu.dma_semaphore, #tpu.memory_space<semaphore_mem>> -> memref<1x!tpu.dma_semaphore, #tpu.memory_space<semaphore_mem>>
      %dma_wait3A_376 = tpu.memref_squeeze %dma_wait3A_375 : memref<1x!tpu.dma_semaphore, #tpu.memory_space<semaphore_mem>> -> memref<!tpu.dma_semaphore, #tpu.memory_space<semaphore_mem>>
      %dma_wait3A_377 = arith.constant 0 : i32
      %dma_wait3A_378 = tpu.memref_slice %arg5[%dma_wait3A_369, %dma_wait3A_377] : memref<6x128xi32, #tpu.memory_space<vmem>> -> memref<1x128xi32, #tpu.memory_space<vmem>>
      %dma_wait3A_379 = tpu.memref_squeeze %dma_wait3A_378 : memref<1x128xi32, #tpu.memory_space<vmem>> -> memref<128xi32, #tpu.memory_space<vmem>>
      %dma_wait3A_380 = tpu.memref_slice %arg3[%mul3A_363] : memref<320000xi32, #tpu.memory_space<hbm>> -> memref<128xi32, #tpu.memory_space<hbm>>
      tpu.wait_dma2 semaphore(%dma_wait3A_376 : memref<!tpu.dma_semaphore, #tpu.memory_space<semaphore_mem>>) src(%dma_wait3A_380 : memref<128xi32, #tpu.memory_space<hbm>>) dst(%dma_wait3A_379 : memref<128xi32, #tpu.memory_space<vmem>>)
      %dma_start3A_381 = arith.constant 1 : i32
      %dma_start3A_382 = arith.constant 1 : i32
      %dma_start3A_383 = arith.constant 1 : i32
      %dma_start3A_384 = arith.constant 0 : i32
      %dma_start3A_385 = arith.constant 0 : i32
      %dma_start3A_386 = tpu.memref_slice %arg6[%dma_start3A_382, %dma_start3A_384, %dma_start3A_385] : memref<6x128x128xf32, #tpu.memory_space<vmem>> -> memref<1x128x128xf32, #tpu.memory_space<vmem>>
      %dma_start3A_387 = tpu.memref_squeeze %dma_start3A_386 : memref<1x128x128xf32, #tpu.memory_space<vmem>> -> memref<128x128xf32, #tpu.memory_space<vmem>>
      %dma_start3A_388 = arith.constant 0 : i32
      %dma_start3A_389 = tpu.memref_slice %arg5[%dma_start3A_381, %dma_start3A_388] : memref<6x128xi32, #tpu.memory_space<vmem>> -> memref<1x128xi32, #tpu.memory_space<vmem>>
      %dma_start3A_390 = tpu.memref_squeeze %dma_start3A_389 : memref<1x128xi32, #tpu.memory_space<vmem>> -> memref<128xi32, #tpu.memory_space<vmem>>
      %dma_start3A_391 = arith.constant 0 : i32
      %dma_start3A_392 = arith.constant 0 : i32
      %dma_start3A_393 = tpu.memref_slice %arg2[%dma_start3A_391, %dma_start3A_392] : memref<10000x128xf32, #tpu.memory_space<hbm>> -> memref<10000x128xf32, #tpu.memory_space<hbm>>
      %dma_start3A_394 = tpu.memref_slice %arg8[%dma_start3A_383] : memref<6x!tpu.dma_semaphore, #tpu.memory_space<semaphore_mem>> -> memref<1x!tpu.dma_semaphore, #tpu.memory_space<semaphore_mem>>
      %dma_start3A_395 = tpu.memref_squeeze %dma_start3A_394 : memref<1x!tpu.dma_semaphore, #tpu.memory_space<semaphore_mem>> -> memref<!tpu.dma_semaphore, #tpu.memory_space<semaphore_mem>>
      tpu.enqueue_indirect_dma source(%dma_start3A_393 : memref<10000x128xf32, #tpu.memory_space<hbm>>) target(%dma_start3A_387 : memref<128x128xf32, #tpu.memory_space<vmem>>) offsets(%dma_start3A_390 : memref<128xi32, #tpu.memory_space<vmem>>) semaphore(%dma_start3A_395 : memref<!tpu.dma_semaphore, #tpu.memory_space<semaphore_mem>>)
      %ge3A_396 = arith.constant 3 : i32
      %ge3A_397 = arith.cmpi sge, %add3A_360, %ge3A_396 : i32
      %convert_element_type3A_398 = arith.extui %ge3A_397 : i1 to i32
      %cond3A_399 = arith.constant 0 : i32
      %cond3A_400 = arith.cmpi ne, %convert_element_type3A_398, %cond3A_399 : i32
      scf.if %cond3A_400 {
        %sub3A = arith.constant 3 : i32
        %sub3A_569 = arith.subi %add3A_360, %sub3A : i32
        %add3A_570 = arith.addi %mul3A_2, %sub3A_569 : i32
        %mul3A_571 = arith.constant 128 : i32
        %mul3A_572 = arith.muli %add3A_570, %mul3A_571 : i32
        %dma_wait3A_573 = arith.constant 4 : i32
        %dma_wait3A_574 = arith.constant 4 : i32
        %dma_wait3A_575 = arith.constant 4 : i32
        %dma_wait3A_576 = arith.constant 0 : i32
        %dma_wait3A_577 = arith.constant 0 : i32
        %dma_wait3A_578 = tpu.memref_slice %arg6[%dma_wait3A_574, %dma_wait3A_576, %dma_wait3A_577] : memref<6x128x128xf32, #tpu.memory_space<vmem>> -> memref<1x128x128xf32, #tpu.memory_space<vmem>>
        %dma_wait3A_579 = tpu.memref_squeeze %dma_wait3A_578 : memref<1x128x128xf32, #tpu.memory_space<vmem>> -> memref<128x128xf32, #tpu.memory_space<vmem>>
        %dma_wait3A_580 = arith.constant 0 : i32
        %dma_wait3A_581 = tpu.memref_slice %arg5[%dma_wait3A_573, %dma_wait3A_580] : memref<6x128xi32, #tpu.memory_space<vmem>> -> memref<1x128xi32, #tpu.memory_space<vmem>>
        %dma_wait3A_582 = tpu.memref_squeeze %dma_wait3A_581 : memref<1x128xi32, #tpu.memory_space<vmem>> -> memref<128xi32, #tpu.memory_space<vmem>>
        %dma_wait3A_583 = arith.constant 0 : i32
        %dma_wait3A_584 = arith.constant 0 : i32
        %dma_wait3A_585 = tpu.memref_slice %arg2[%dma_wait3A_583, %dma_wait3A_584] : memref<10000x128xf32, #tpu.memory_space<hbm>> -> memref<10000x128xf32, #tpu.memory_space<hbm>>
        %dma_wait3A_586 = tpu.memref_slice %arg8[%dma_wait3A_575] : memref<6x!tpu.dma_semaphore, #tpu.memory_space<semaphore_mem>> -> memref<1x!tpu.dma_semaphore, #tpu.memory_space<semaphore_mem>>
        %dma_wait3A_587 = tpu.memref_squeeze %dma_wait3A_586 : memref<1x!tpu.dma_semaphore, #tpu.memory_space<semaphore_mem>> -> memref<!tpu.dma_semaphore, #tpu.memory_space<semaphore_mem>>
        tpu.wait_indirect_dma semaphore(%dma_wait3A_587 : memref<!tpu.dma_semaphore, #tpu.memory_space<semaphore_mem>>) src(%dma_wait3A_585 : memref<10000x128xf32, #tpu.memory_space<hbm>>) dst(%dma_wait3A_579 : memref<128x128xf32, #tpu.memory_space<vmem>>)
        %add3A_588 = arith.constant 6 : i32
        %add3A_589 = arith.addi %sub3A_569, %add3A_588 : i32
        %lt3A_590 = arith.constant 78 : i32
        %lt3A_591 = arith.cmpi slt, %add3A_589, %lt3A_590 : i32
        %convert_element_type3A_592 = arith.extui %lt3A_591 : i1 to i32
        %cond3A_593 = arith.constant 0 : i32
        %cond3A_594 = arith.cmpi ne, %convert_element_type3A_592, %cond3A_593 : i32
        scf.if %cond3A_594 {
          %add3A_611 = arith.constant 6 : i32
          %add3A_612 = arith.addi %sub3A_569, %add3A_611 : i32
          %add3A_613 = arith.addi %mul3A_2, %add3A_612 : i32
          %mul3A_614 = arith.constant 128 : i32
          %mul3A_615 = arith.muli %add3A_613, %mul3A_614 : i32
          %dma_start3A_616 = arith.constant 4 : i32
          %dma_start3A_617 = arith.constant 4 : i32
          %dma_start3A_618 = arith.constant 0 : i32
          %dma_start3A_619 = tpu.memref_slice %arg5[%dma_start3A_616, %dma_start3A_618] : memref<6x128xi32, #tpu.memory_space<vmem>> -> memref<1x128xi32, #tpu.memory_space<vmem>>
          %dma_start3A_620 = tpu.memref_squeeze %dma_start3A_619 : memref<1x128xi32, #tpu.memory_space<vmem>> -> memref<128xi32, #tpu.memory_space<vmem>>
          %dma_start3A_621 = tpu.memref_slice %arg3[%mul3A_615] : memref<320000xi32, #tpu.memory_space<hbm>> -> memref<128xi32, #tpu.memory_space<hbm>>
          %dma_start3A_622 = tpu.memref_slice %arg7[%dma_start3A_617] : memref<6x!tpu.dma_semaphore, #tpu.memory_space<semaphore_mem>> -> memref<1x!tpu.dma_semaphore, #tpu.memory_space<semaphore_mem>>
          %dma_start3A_623 = tpu.memref_squeeze %dma_start3A_622 : memref<1x!tpu.dma_semaphore, #tpu.memory_space<semaphore_mem>> -> memref<!tpu.dma_semaphore, #tpu.memory_space<semaphore_mem>>
          %dma_start3A_624 = arith.constant 0 : i32
          %dma_start3A_625 = tpu.memref_slice %arg5[%dma_start3A_616, %dma_start3A_624] : memref<6x128xi32, #tpu.memory_space<vmem>> -> memref<1x128xi32, #tpu.memory_space<vmem>>
          %dma_start3A_626 = tpu.memref_squeeze %dma_start3A_625 : memref<1x128xi32, #tpu.memory_space<vmem>> -> memref<128xi32, #tpu.memory_space<vmem>>
          %dma_start3A_627 = tpu.memref_slice %arg3[%mul3A_615] : memref<320000xi32, #tpu.memory_space<hbm>> -> memref<128xi32, #tpu.memory_space<hbm>>
          tpu.enqueue_dma source(%dma_start3A_627 : memref<128xi32, #tpu.memory_space<hbm>>) target(%dma_start3A_626 : memref<128xi32, #tpu.memory_space<vmem>>) target_semaphore(%dma_start3A_623 : memref<!tpu.dma_semaphore, #tpu.memory_space<semaphore_mem>>)
        } else {
        }
        %dma_start3A_595 = arith.constant 4 : i32
        %dma_start3A_596 = arith.constant 4 : i32
        %dma_start3A_597 = arith.constant 0 : i32
        %dma_start3A_598 = arith.constant 0 : i32
        %dma_start3A_599 = tpu.memref_slice %arg6[%dma_start3A_595, %dma_start3A_597, %dma_start3A_598] : memref<6x128x128xf32, #tpu.memory_space<vmem>> -> memref<1x128x128xf32, #tpu.memory_space<vmem>>
        %dma_start3A_600 = tpu.memref_squeeze %dma_start3A_599 : memref<1x128x128xf32, #tpu.memory_space<vmem>> -> memref<128x128xf32, #tpu.memory_space<vmem>>
        %dma_start3A_601 = arith.constant 0 : i32
        %dma_start3A_602 = tpu.memref_slice %arg4[%mul3A_572, %dma_start3A_601] : memref<320000x128xf32, #tpu.memory_space<hbm>> -> memref<128x128xf32, #tpu.memory_space<hbm>>
        %dma_start3A_603 = tpu.memref_slice %arg9[%dma_start3A_596] : memref<6x!tpu.dma_semaphore, #tpu.memory_space<semaphore_mem>> -> memref<1x!tpu.dma_semaphore, #tpu.memory_space<semaphore_mem>>
        %dma_start3A_604 = tpu.memref_squeeze %dma_start3A_603 : memref<1x!tpu.dma_semaphore, #tpu.memory_space<semaphore_mem>> -> memref<!tpu.dma_semaphore, #tpu.memory_space<semaphore_mem>>
        %dma_start3A_605 = arith.constant 0 : i32
        %dma_start3A_606 = tpu.memref_slice %arg4[%mul3A_572, %dma_start3A_605] : memref<320000x128xf32, #tpu.memory_space<hbm>> -> memref<128x128xf32, #tpu.memory_space<hbm>>
        %dma_start3A_607 = arith.constant 0 : i32
        %dma_start3A_608 = arith.constant 0 : i32
        %dma_start3A_609 = tpu.memref_slice %arg6[%dma_start3A_595, %dma_start3A_607, %dma_start3A_608] : memref<6x128x128xf32, #tpu.memory_space<vmem>> -> memref<1x128x128xf32, #tpu.memory_space<vmem>>
        %dma_start3A_610 = tpu.memref_squeeze %dma_start3A_609 : memref<1x128x128xf32, #tpu.memory_space<vmem>> -> memref<128x128xf32, #tpu.memory_space<vmem>>
        tpu.enqueue_dma source(%dma_start3A_610 : memref<128x128xf32, #tpu.memory_space<vmem>>) target(%dma_start3A_606 : memref<128x128xf32, #tpu.memory_space<hbm>>) target_semaphore(%dma_start3A_604 : memref<!tpu.dma_semaphore, #tpu.memory_space<semaphore_mem>>)
      } else {
      }
      %add3A_401 = arith.constant 2 : i32
      %add3A_402 = arith.addi %mul3A_318, %add3A_401 : i32
      %add3A_403 = arith.addi %mul3A_2, %add3A_402 : i32
      %mul3A_404 = arith.constant 128 : i32
      %mul3A_405 = arith.muli %add3A_403, %mul3A_404 : i32
      %gt3A_406 = arith.constant 0 : i32
      %gt3A_407 = arith.cmpi sgt, %mul3A_318, %gt3A_406 : i32
      %convert_element_type3A_408 = arith.extui %gt3A_407 : i1 to i32
      %cond3A_409 = arith.constant 0 : i32
      %cond3A_410 = arith.cmpi ne, %convert_element_type3A_408, %cond3A_409 : i32
      scf.if %cond3A_410 {
        %dma_wait3A_569 = arith.constant 2 : i32
        %dma_wait3A_570 = arith.constant 2 : i32
        %dma_wait3A_571 = arith.constant 0 : i32
        %dma_wait3A_572 = arith.constant 0 : i32
        %dma_wait3A_573 = tpu.memref_slice %arg6[%dma_wait3A_569, %dma_wait3A_571, %dma_wait3A_572] : memref<6x128x128xf32, #tpu.memory_space<vmem>> -> memref<1x128x128xf32, #tpu.memory_space<vmem>>
        %dma_wait3A_574 = tpu.memref_squeeze %dma_wait3A_573 : memref<1x128x128xf32, #tpu.memory_space<vmem>> -> memref<128x128xf32, #tpu.memory_space<vmem>>
        %dma_wait3A_575 = arith.constant 0 : i32
        %dma_wait3A_576 = tpu.memref_slice %arg4[%mul3A_405, %dma_wait3A_575] : memref<320000x128xf32, #tpu.memory_space<hbm>> -> memref<128x128xf32, #tpu.memory_space<hbm>>
        %dma_wait3A_577 = tpu.memref_slice %arg9[%dma_wait3A_570] : memref<6x!tpu.dma_semaphore, #tpu.memory_space<semaphore_mem>> -> memref<1x!tpu.dma_semaphore, #tpu.memory_space<semaphore_mem>>
        %dma_wait3A_578 = tpu.memref_squeeze %dma_wait3A_577 : memref<1x!tpu.dma_semaphore, #tpu.memory_space<semaphore_mem>> -> memref<!tpu.dma_semaphore, #tpu.memory_space<semaphore_mem>>
        %dma_wait3A_579 = arith.constant 0 : i32
        %dma_wait3A_580 = tpu.memref_slice %arg4[%mul3A_405, %dma_wait3A_579] : memref<320000x128xf32, #tpu.memory_space<hbm>> -> memref<128x128xf32, #tpu.memory_space<hbm>>
        %dma_wait3A_581 = arith.constant 0 : i32
        %dma_wait3A_582 = arith.constant 0 : i32
        %dma_wait3A_583 = tpu.memref_slice %arg6[%dma_wait3A_569, %dma_wait3A_581, %dma_wait3A_582] : memref<6x128x128xf32, #tpu.memory_space<vmem>> -> memref<1x128x128xf32, #tpu.memory_space<vmem>>
        %dma_wait3A_584 = tpu.memref_squeeze %dma_wait3A_583 : memref<1x128x128xf32, #tpu.memory_space<vmem>> -> memref<128x128xf32, #tpu.memory_space<vmem>>
        tpu.wait_dma2 semaphore(%dma_wait3A_578 : memref<!tpu.dma_semaphore, #tpu.memory_space<semaphore_mem>>) src(%dma_wait3A_584 : memref<128x128xf32, #tpu.memory_space<vmem>>) dst(%dma_wait3A_580 : memref<128x128xf32, #tpu.memory_space<hbm>>)
      } else {
      }
      %dma_wait3A_411 = arith.constant 2 : i32
      %dma_wait3A_412 = arith.constant 2 : i32
      %dma_wait3A_413 = arith.constant 0 : i32
      %dma_wait3A_414 = tpu.memref_slice %arg5[%dma_wait3A_411, %dma_wait3A_413] : memref<6x128xi32, #tpu.memory_space<vmem>> -> memref<1x128xi32, #tpu.memory_space<vmem>>
      %dma_wait3A_415 = tpu.memref_squeeze %dma_wait3A_414 : memref<1x128xi32, #tpu.memory_space<vmem>> -> memref<128xi32, #tpu.memory_space<vmem>>
      %dma_wait3A_416 = tpu.memref_slice %arg3[%mul3A_405] : memref<320000xi32, #tpu.memory_space<hbm>> -> memref<128xi32, #tpu.memory_space<hbm>>
      %dma_wait3A_417 = tpu.memref_slice %arg7[%dma_wait3A_412] : memref<6x!tpu.dma_semaphore, #tpu.memory_space<semaphore_mem>> -> memref<1x!tpu.dma_semaphore, #tpu.memory_space<semaphore_mem>>
      %dma_wait3A_418 = tpu.memref_squeeze %dma_wait3A_417 : memref<1x!tpu.dma_semaphore, #tpu.memory_space<semaphore_mem>> -> memref<!tpu.dma_semaphore, #tpu.memory_space<semaphore_mem>>
      %dma_wait3A_419 = arith.constant 0 : i32
      %dma_wait3A_420 = tpu.memref_slice %arg5[%dma_wait3A_411, %dma_wait3A_419] : memref<6x128xi32, #tpu.memory_space<vmem>> -> memref<1x128xi32, #tpu.memory_space<vmem>>
      %dma_wait3A_421 = tpu.memref_squeeze %dma_wait3A_420 : memref<1x128xi32, #tpu.memory_space<vmem>> -> memref<128xi32, #tpu.memory_space<vmem>>
      %dma_wait3A_422 = tpu.memref_slice %arg3[%mul3A_405] : memref<320000xi32, #tpu.memory_space<hbm>> -> memref<128xi32, #tpu.memory_space<hbm>>
      tpu.wait_dma2 semaphore(%dma_wait3A_418 : memref<!tpu.dma_semaphore, #tpu.memory_space<semaphore_mem>>) src(%dma_wait3A_422 : memref<128xi32, #tpu.memory_space<hbm>>) dst(%dma_wait3A_421 : memref<128xi32, #tpu.memory_space<vmem>>)
      %dma_start3A_423 = arith.constant 2 : i32
      %dma_start3A_424 = arith.constant 2 : i32
      %dma_start3A_425 = arith.constant 2 : i32
      %dma_start3A_426 = arith.constant 0 : i32
      %dma_start3A_427 = arith.constant 0 : i32
      %dma_start3A_428 = tpu.memref_slice %arg6[%dma_start3A_424, %dma_start3A_426, %dma_start3A_427] : memref<6x128x128xf32, #tpu.memory_space<vmem>> -> memref<1x128x128xf32, #tpu.memory_space<vmem>>
      %dma_start3A_429 = tpu.memref_squeeze %dma_start3A_428 : memref<1x128x128xf32, #tpu.memory_space<vmem>> -> memref<128x128xf32, #tpu.memory_space<vmem>>
      %dma_start3A_430 = arith.constant 0 : i32
      %dma_start3A_431 = tpu.memref_slice %arg5[%dma_start3A_423, %dma_start3A_430] : memref<6x128xi32, #tpu.memory_space<vmem>> -> memref<1x128xi32, #tpu.memory_space<vmem>>
      %dma_start3A_432 = tpu.memref_squeeze %dma_start3A_431 : memref<1x128xi32, #tpu.memory_space<vmem>> -> memref<128xi32, #tpu.memory_space<vmem>>
      %dma_start3A_433 = arith.constant 0 : i32
      %dma_start3A_434 = arith.constant 0 : i32
      %dma_start3A_435 = tpu.memref_slice %arg2[%dma_start3A_433, %dma_start3A_434] : memref<10000x128xf32, #tpu.memory_space<hbm>> -> memref<10000x128xf32, #tpu.memory_space<hbm>>
      %dma_start3A_436 = tpu.memref_slice %arg8[%dma_start3A_425] : memref<6x!tpu.dma_semaphore, #tpu.memory_space<semaphore_mem>> -> memref<1x!tpu.dma_semaphore, #tpu.memory_space<semaphore_mem>>
      %dma_start3A_437 = tpu.memref_squeeze %dma_start3A_436 : memref<1x!tpu.dma_semaphore, #tpu.memory_space<semaphore_mem>> -> memref<!tpu.dma_semaphore, #tpu.memory_space<semaphore_mem>>
      tpu.enqueue_indirect_dma source(%dma_start3A_435 : memref<10000x128xf32, #tpu.memory_space<hbm>>) target(%dma_start3A_429 : memref<128x128xf32, #tpu.memory_space<vmem>>) offsets(%dma_start3A_432 : memref<128xi32, #tpu.memory_space<vmem>>) semaphore(%dma_start3A_437 : memref<!tpu.dma_semaphore, #tpu.memory_space<semaphore_mem>>)
      %ge3A_438 = arith.constant 3 : i32
      %ge3A_439 = arith.cmpi sge, %add3A_402, %ge3A_438 : i32
      %convert_element_type3A_440 = arith.extui %ge3A_439 : i1 to i32
      %cond3A_441 = arith.constant 0 : i32
      %cond3A_442 = arith.cmpi ne, %convert_element_type3A_440, %cond3A_441 : i32
      scf.if %cond3A_442 {
        %sub3A = arith.constant 3 : i32
        %sub3A_569 = arith.subi %add3A_402, %sub3A : i32
        %add3A_570 = arith.addi %mul3A_2, %sub3A_569 : i32
        %mul3A_571 = arith.constant 128 : i32
        %mul3A_572 = arith.muli %add3A_570, %mul3A_571 : i32
        %dma_wait3A_573 = arith.constant 5 : i32
        %dma_wait3A_574 = arith.constant 5 : i32
        %dma_wait3A_575 = arith.constant 5 : i32
        %dma_wait3A_576 = arith.constant 0 : i32
        %dma_wait3A_577 = arith.constant 0 : i32
        %dma_wait3A_578 = tpu.memref_slice %arg6[%dma_wait3A_574, %dma_wait3A_576, %dma_wait3A_577] : memref<6x128x128xf32, #tpu.memory_space<vmem>> -> memref<1x128x128xf32, #tpu.memory_space<vmem>>
        %dma_wait3A_579 = tpu.memref_squeeze %dma_wait3A_578 : memref<1x128x128xf32, #tpu.memory_space<vmem>> -> memref<128x128xf32, #tpu.memory_space<vmem>>
        %dma_wait3A_580 = arith.constant 0 : i32
        %dma_wait3A_581 = tpu.memref_slice %arg5[%dma_wait3A_573, %dma_wait3A_580] : memref<6x128xi32, #tpu.memory_space<vmem>> -> memref<1x128xi32, #tpu.memory_space<vmem>>
        %dma_wait3A_582 = tpu.memref_squeeze %dma_wait3A_581 : memref<1x128xi32, #tpu.memory_space<vmem>> -> memref<128xi32, #tpu.memory_space<vmem>>
        %dma_wait3A_583 = arith.constant 0 : i32
        %dma_wait3A_584 = arith.constant 0 : i32
        %dma_wait3A_585 = tpu.memref_slice %arg2[%dma_wait3A_583, %dma_wait3A_584] : memref<10000x128xf32, #tpu.memory_space<hbm>> -> memref<10000x128xf32, #tpu.memory_space<hbm>>
        %dma_wait3A_586 = tpu.memref_slice %arg8[%dma_wait3A_575] : memref<6x!tpu.dma_semaphore, #tpu.memory_space<semaphore_mem>> -> memref<1x!tpu.dma_semaphore, #tpu.memory_space<semaphore_mem>>
        %dma_wait3A_587 = tpu.memref_squeeze %dma_wait3A_586 : memref<1x!tpu.dma_semaphore, #tpu.memory_space<semaphore_mem>> -> memref<!tpu.dma_semaphore, #tpu.memory_space<semaphore_mem>>
        tpu.wait_indirect_dma semaphore(%dma_wait3A_587 : memref<!tpu.dma_semaphore, #tpu.memory_space<semaphore_mem>>) src(%dma_wait3A_585 : memref<10000x128xf32, #tpu.memory_space<hbm>>) dst(%dma_wait3A_579 : memref<128x128xf32, #tpu.memory_space<vmem>>)
        %add3A_588 = arith.constant 6 : i32
        %add3A_589 = arith.addi %sub3A_569, %add3A_588 : i32
        %lt3A_590 = arith.constant 78 : i32
        %lt3A_591 = arith.cmpi slt, %add3A_589, %lt3A_590 : i32
        %convert_element_type3A_592 = arith.extui %lt3A_591 : i1 to i32
        %cond3A_593 = arith.constant 0 : i32
        %cond3A_594 = arith.cmpi ne, %convert_element_type3A_592, %cond3A_593 : i32
        scf.if %cond3A_594 {
          %add3A_611 = arith.constant 6 : i32
          %add3A_612 = arith.addi %sub3A_569, %add3A_611 : i32
          %add3A_613 = arith.addi %mul3A_2, %add3A_612 : i32
          %mul3A_614 = arith.constant 128 : i32
          %mul3A_615 = arith.muli %add3A_613, %mul3A_614 : i32
          %dma_start3A_616 = arith.constant 5 : i32
          %dma_start3A_617 = arith.constant 5 : i32
          %dma_start3A_618 = arith.constant 0 : i32
          %dma_start3A_619 = tpu.memref_slice %arg5[%dma_start3A_616, %dma_start3A_618] : memref<6x128xi32, #tpu.memory_space<vmem>> -> memref<1x128xi32, #tpu.memory_space<vmem>>
          %dma_start3A_620 = tpu.memref_squeeze %dma_start3A_619 : memref<1x128xi32, #tpu.memory_space<vmem>> -> memref<128xi32, #tpu.memory_space<vmem>>
          %dma_start3A_621 = tpu.memref_slice %arg3[%mul3A_615] : memref<320000xi32, #tpu.memory_space<hbm>> -> memref<128xi32, #tpu.memory_space<hbm>>
          %dma_start3A_622 = tpu.memref_slice %arg7[%dma_start3A_617] : memref<6x!tpu.dma_semaphore, #tpu.memory_space<semaphore_mem>> -> memref<1x!tpu.dma_semaphore, #tpu.memory_space<semaphore_mem>>
          %dma_start3A_623 = tpu.memref_squeeze %dma_start3A_622 : memref<1x!tpu.dma_semaphore, #tpu.memory_space<semaphore_mem>> -> memref<!tpu.dma_semaphore, #tpu.memory_space<semaphore_mem>>
          %dma_start3A_624 = arith.constant 0 : i32
          %dma_start3A_625 = tpu.memref_slice %arg5[%dma_start3A_616, %dma_start3A_624] : memref<6x128xi32, #tpu.memory_space<vmem>> -> memref<1x128xi32, #tpu.memory_space<vmem>>
          %dma_start3A_626 = tpu.memref_squeeze %dma_start3A_625 : memref<1x128xi32, #tpu.memory_space<vmem>> -> memref<128xi32, #tpu.memory_space<vmem>>
          %dma_start3A_627 = tpu.memref_slice %arg3[%mul3A_615] : memref<320000xi32, #tpu.memory_space<hbm>> -> memref<128xi32, #tpu.memory_space<hbm>>
          tpu.enqueue_dma source(%dma_start3A_627 : memref<128xi32, #tpu.memory_space<hbm>>) target(%dma_start3A_626 : memref<128xi32, #tpu.memory_space<vmem>>) target_semaphore(%dma_start3A_623 : memref<!tpu.dma_semaphore, #tpu.memory_space<semaphore_mem>>)
        } else {
        }
        %dma_start3A_595 = arith.constant 5 : i32
        %dma_start3A_596 = arith.constant 5 : i32
        %dma_start3A_597 = arith.constant 0 : i32
        %dma_start3A_598 = arith.constant 0 : i32
        %dma_start3A_599 = tpu.memref_slice %arg6[%dma_start3A_595, %dma_start3A_597, %dma_start3A_598] : memref<6x128x128xf32, #tpu.memory_space<vmem>> -> memref<1x128x128xf32, #tpu.memory_space<vmem>>
        %dma_start3A_600 = tpu.memref_squeeze %dma_start3A_599 : memref<1x128x128xf32, #tpu.memory_space<vmem>> -> memref<128x128xf32, #tpu.memory_space<vmem>>
        %dma_start3A_601 = arith.constant 0 : i32
        %dma_start3A_602 = tpu.memref_slice %arg4[%mul3A_572, %dma_start3A_601] : memref<320000x128xf32, #tpu.memory_space<hbm>> -> memref<128x128xf32, #tpu.memory_space<hbm>>
        %dma_start3A_603 = tpu.memref_slice %arg9[%dma_start3A_596] : memref<6x!tpu.dma_semaphore, #tpu.memory_space<semaphore_mem>> -> memref<1x!tpu.dma_semaphore, #tpu.memory_space<semaphore_mem>>
        %dma_start3A_604 = tpu.memref_squeeze %dma_start3A_603 : memref<1x!tpu.dma_semaphore, #tpu.memory_space<semaphore_mem>> -> memref<!tpu.dma_semaphore, #tpu.memory_space<semaphore_mem>>
        %dma_start3A_605 = arith.constant 0 : i32
        %dma_start3A_606 = tpu.memref_slice %arg4[%mul3A_572, %dma_start3A_605] : memref<320000x128xf32, #tpu.memory_space<hbm>> -> memref<128x128xf32, #tpu.memory_space<hbm>>
        %dma_start3A_607 = arith.constant 0 : i32
        %dma_start3A_608 = arith.constant 0 : i32
        %dma_start3A_609 = tpu.memref_slice %arg6[%dma_start3A_595, %dma_start3A_607, %dma_start3A_608] : memref<6x128x128xf32, #tpu.memory_space<vmem>> -> memref<1x128x128xf32, #tpu.memory_space<vmem>>
        %dma_start3A_610 = tpu.memref_squeeze %dma_start3A_609 : memref<1x128x128xf32, #tpu.memory_space<vmem>> -> memref<128x128xf32, #tpu.memory_space<vmem>>
        tpu.enqueue_dma source(%dma_start3A_610 : memref<128x128xf32, #tpu.memory_space<vmem>>) target(%dma_start3A_606 : memref<128x128xf32, #tpu.memory_space<hbm>>) target_semaphore(%dma_start3A_604 : memref<!tpu.dma_semaphore, #tpu.memory_space<semaphore_mem>>)
      } else {
      }
      %add3A_443 = arith.constant 3 : i32
      %add3A_444 = arith.addi %mul3A_318, %add3A_443 : i32
      %add3A_445 = arith.addi %mul3A_2, %add3A_444 : i32
      %mul3A_446 = arith.constant 128 : i32
      %mul3A_447 = arith.muli %add3A_445, %mul3A_446 : i32
      %gt3A_448 = arith.constant 0 : i32
      %gt3A_449 = arith.cmpi sgt, %mul3A_318, %gt3A_448 : i32
      %convert_element_type3A_450 = arith.extui %gt3A_449 : i1 to i32
      %cond3A_451 = arith.constant 0 : i32
      %cond3A_452 = arith.cmpi ne, %convert_element_type3A_450, %cond3A_451 : i32
      scf.if %cond3A_452 {
        %dma_wait3A_569 = arith.constant 3 : i32
        %dma_wait3A_570 = arith.constant 3 : i32
        %dma_wait3A_571 = arith.constant 0 : i32
        %dma_wait3A_572 = arith.constant 0 : i32
        %dma_wait3A_573 = tpu.memref_slice %arg6[%dma_wait3A_569, %dma_wait3A_571, %dma_wait3A_572] : memref<6x128x128xf32, #tpu.memory_space<vmem>> -> memref<1x128x128xf32, #tpu.memory_space<vmem>>
        %dma_wait3A_574 = tpu.memref_squeeze %dma_wait3A_573 : memref<1x128x128xf32, #tpu.memory_space<vmem>> -> memref<128x128xf32, #tpu.memory_space<vmem>>
        %dma_wait3A_575 = arith.constant 0 : i32
        %dma_wait3A_576 = tpu.memref_slice %arg4[%mul3A_447, %dma_wait3A_575] : memref<320000x128xf32, #tpu.memory_space<hbm>> -> memref<128x128xf32, #tpu.memory_space<hbm>>
        %dma_wait3A_577 = tpu.memref_slice %arg9[%dma_wait3A_570] : memref<6x!tpu.dma_semaphore, #tpu.memory_space<semaphore_mem>> -> memref<1x!tpu.dma_semaphore, #tpu.memory_space<semaphore_mem>>
        %dma_wait3A_578 = tpu.memref_squeeze %dma_wait3A_577 : memref<1x!tpu.dma_semaphore, #tpu.memory_space<semaphore_mem>> -> memref<!tpu.dma_semaphore, #tpu.memory_space<semaphore_mem>>
        %dma_wait3A_579 = arith.constant 0 : i32
        %dma_wait3A_580 = tpu.memref_slice %arg4[%mul3A_447, %dma_wait3A_579] : memref<320000x128xf32, #tpu.memory_space<hbm>> -> memref<128x128xf32, #tpu.memory_space<hbm>>
        %dma_wait3A_581 = arith.constant 0 : i32
        %dma_wait3A_582 = arith.constant 0 : i32
        %dma_wait3A_583 = tpu.memref_slice %arg6[%dma_wait3A_569, %dma_wait3A_581, %dma_wait3A_582] : memref<6x128x128xf32, #tpu.memory_space<vmem>> -> memref<1x128x128xf32, #tpu.memory_space<vmem>>
        %dma_wait3A_584 = tpu.memref_squeeze %dma_wait3A_583 : memref<1x128x128xf32, #tpu.memory_space<vmem>> -> memref<128x128xf32, #tpu.memory_space<vmem>>
        tpu.wait_dma2 semaphore(%dma_wait3A_578 : memref<!tpu.dma_semaphore, #tpu.memory_space<semaphore_mem>>) src(%dma_wait3A_584 : memref<128x128xf32, #tpu.memory_space<vmem>>) dst(%dma_wait3A_580 : memref<128x128xf32, #tpu.memory_space<hbm>>)
      } else {
      }
      %dma_wait3A_453 = arith.constant 3 : i32
      %dma_wait3A_454 = arith.constant 3 : i32
      %dma_wait3A_455 = arith.constant 0 : i32
      %dma_wait3A_456 = tpu.memref_slice %arg5[%dma_wait3A_453, %dma_wait3A_455] : memref<6x128xi32, #tpu.memory_space<vmem>> -> memref<1x128xi32, #tpu.memory_space<vmem>>
      %dma_wait3A_457 = tpu.memref_squeeze %dma_wait3A_456 : memref<1x128xi32, #tpu.memory_space<vmem>> -> memref<128xi32, #tpu.memory_space<vmem>>
      %dma_wait3A_458 = tpu.memref_slice %arg3[%mul3A_447] : memref<320000xi32, #tpu.memory_space<hbm>> -> memref<128xi32, #tpu.memory_space<hbm>>
      %dma_wait3A_459 = tpu.memref_slice %arg7[%dma_wait3A_454] : memref<6x!tpu.dma_semaphore, #tpu.memory_space<semaphore_mem>> -> memref<1x!tpu.dma_semaphore, #tpu.memory_space<semaphore_mem>>
      %dma_wait3A_460 = tpu.memref_squeeze %dma_wait3A_459 : memref<1x!tpu.dma_semaphore, #tpu.memory_space<semaphore_mem>> -> memref<!tpu.dma_semaphore, #tpu.memory_space<semaphore_mem>>
      %dma_wait3A_461 = arith.constant 0 : i32
      %dma_wait3A_462 = tpu.memref_slice %arg5[%dma_wait3A_453, %dma_wait3A_461] : memref<6x128xi32, #tpu.memory_space<vmem>> -> memref<1x128xi32, #tpu.memory_space<vmem>>
      %dma_wait3A_463 = tpu.memref_squeeze %dma_wait3A_462 : memref<1x128xi32, #tpu.memory_space<vmem>> -> memref<128xi32, #tpu.memory_space<vmem>>
      %dma_wait3A_464 = tpu.memref_slice %arg3[%mul3A_447] : memref<320000xi32, #tpu.memory_space<hbm>> -> memref<128xi32, #tpu.memory_space<hbm>>
      tpu.wait_dma2 semaphore(%dma_wait3A_460 : memref<!tpu.dma_semaphore, #tpu.memory_space<semaphore_mem>>) src(%dma_wait3A_464 : memref<128xi32, #tpu.memory_space<hbm>>) dst(%dma_wait3A_463 : memref<128xi32, #tpu.memory_space<vmem>>)
      %dma_start3A_465 = arith.constant 3 : i32
      %dma_start3A_466 = arith.constant 3 : i32
      %dma_start3A_467 = arith.constant 3 : i32
      %dma_start3A_468 = arith.constant 0 : i32
      %dma_start3A_469 = arith.constant 0 : i32
      %dma_start3A_470 = tpu.memref_slice %arg6[%dma_start3A_466, %dma_start3A_468, %dma_start3A_469] : memref<6x128x128xf32, #tpu.memory_space<vmem>> -> memref<1x128x128xf32, #tpu.memory_space<vmem>>
      %dma_start3A_471 = tpu.memref_squeeze %dma_start3A_470 : memref<1x128x128xf32, #tpu.memory_space<vmem>> -> memref<128x128xf32, #tpu.memory_space<vmem>>
      %dma_start3A_472 = arith.constant 0 : i32
      %dma_start3A_473 = tpu.memref_slice %arg5[%dma_start3A_465, %dma_start3A_472] : memref<6x128xi32, #tpu.memory_space<vmem>> -> memref<1x128xi32, #tpu.memory_space<vmem>>
      %dma_start3A_474 = tpu.memref_squeeze %dma_start3A_473 : memref<1x128xi32, #tpu.memory_space<vmem>> -> memref<128xi32, #tpu.memory_space<vmem>>
      %dma_start3A_475 = arith.constant 0 : i32
      %dma_start3A_476 = arith.constant 0 : i32
      %dma_start3A_477 = tpu.memref_slice %arg2[%dma_start3A_475, %dma_start3A_476] : memref<10000x128xf32, #tpu.memory_space<hbm>> -> memref<10000x128xf32, #tpu.memory_space<hbm>>
      %dma_start3A_478 = tpu.memref_slice %arg8[%dma_start3A_467] : memref<6x!tpu.dma_semaphore, #tpu.memory_space<semaphore_mem>> -> memref<1x!tpu.dma_semaphore, #tpu.memory_space<semaphore_mem>>
      %dma_start3A_479 = tpu.memref_squeeze %dma_start3A_478 : memref<1x!tpu.dma_semaphore, #tpu.memory_space<semaphore_mem>> -> memref<!tpu.dma_semaphore, #tpu.memory_space<semaphore_mem>>
      tpu.enqueue_indirect_dma source(%dma_start3A_477 : memref<10000x128xf32, #tpu.memory_space<hbm>>) target(%dma_start3A_471 : memref<128x128xf32, #tpu.memory_space<vmem>>) offsets(%dma_start3A_474 : memref<128xi32, #tpu.memory_space<vmem>>) semaphore(%dma_start3A_479 : memref<!tpu.dma_semaphore, #tpu.memory_space<semaphore_mem>>)
      %ge3A_480 = arith.constant 3 : i32
      %ge3A_481 = arith.cmpi sge, %add3A_444, %ge3A_480 : i32
      %convert_element_type3A_482 = arith.extui %ge3A_481 : i1 to i32
      %cond3A_483 = arith.constant 0 : i32
      %cond3A_484 = arith.cmpi ne, %convert_element_type3A_482, %cond3A_483 : i32
      scf.if %cond3A_484 {
        %sub3A = arith.constant 3 : i32
        %sub3A_569 = arith.subi %add3A_444, %sub3A : i32
        %add3A_570 = arith.addi %mul3A_2, %sub3A_569 : i32
        %mul3A_571 = arith.constant 128 : i32
        %mul3A_572 = arith.muli %add3A_570, %mul3A_571 : i32
        %dma_wait3A_573 = arith.constant 0 : i32
        %dma_wait3A_574 = arith.constant 0 : i32
        %dma_wait3A_575 = arith.constant 0 : i32
        %dma_wait3A_576 = arith.constant 0 : i32
        %dma_wait3A_577 = arith.constant 0 : i32
        %dma_wait3A_578 = tpu.memref_slice %arg6[%dma_wait3A_574, %dma_wait3A_576, %dma_wait3A_577] : memref<6x128x128xf32, #tpu.memory_space<vmem>> -> memref<1x128x128xf32, #tpu.memory_space<vmem>>
        %dma_wait3A_579 = tpu.memref_squeeze %dma_wait3A_578 : memref<1x128x128xf32, #tpu.memory_space<vmem>> -> memref<128x128xf32, #tpu.memory_space<vmem>>
        %dma_wait3A_580 = arith.constant 0 : i32
        %dma_wait3A_581 = tpu.memref_slice %arg5[%dma_wait3A_573, %dma_wait3A_580] : memref<6x128xi32, #tpu.memory_space<vmem>> -> memref<1x128xi32, #tpu.memory_space<vmem>>
        %dma_wait3A_582 = tpu.memref_squeeze %dma_wait3A_581 : memref<1x128xi32, #tpu.memory_space<vmem>> -> memref<128xi32, #tpu.memory_space<vmem>>
        %dma_wait3A_583 = arith.constant 0 : i32
        %dma_wait3A_584 = arith.constant 0 : i32
        %dma_wait3A_585 = tpu.memref_slice %arg2[%dma_wait3A_583, %dma_wait3A_584] : memref<10000x128xf32, #tpu.memory_space<hbm>> -> memref<10000x128xf32, #tpu.memory_space<hbm>>
        %dma_wait3A_586 = tpu.memref_slice %arg8[%dma_wait3A_575] : memref<6x!tpu.dma_semaphore, #tpu.memory_space<semaphore_mem>> -> memref<1x!tpu.dma_semaphore, #tpu.memory_space<semaphore_mem>>
        %dma_wait3A_587 = tpu.memref_squeeze %dma_wait3A_586 : memref<1x!tpu.dma_semaphore, #tpu.memory_space<semaphore_mem>> -> memref<!tpu.dma_semaphore, #tpu.memory_space<semaphore_mem>>
        tpu.wait_indirect_dma semaphore(%dma_wait3A_587 : memref<!tpu.dma_semaphore, #tpu.memory_space<semaphore_mem>>) src(%dma_wait3A_585 : memref<10000x128xf32, #tpu.memory_space<hbm>>) dst(%dma_wait3A_579 : memref<128x128xf32, #tpu.memory_space<vmem>>)
        %add3A_588 = arith.constant 6 : i32
        %add3A_589 = arith.addi %sub3A_569, %add3A_588 : i32
        %lt3A_590 = arith.constant 78 : i32
        %lt3A_591 = arith.cmpi slt, %add3A_589, %lt3A_590 : i32
        %convert_element_type3A_592 = arith.extui %lt3A_591 : i1 to i32
        %cond3A_593 = arith.constant 0 : i32
        %cond3A_594 = arith.cmpi ne, %convert_element_type3A_592, %cond3A_593 : i32
        scf.if %cond3A_594 {
          %add3A_611 = arith.constant 6 : i32
          %add3A_612 = arith.addi %sub3A_569, %add3A_611 : i32
          %add3A_613 = arith.addi %mul3A_2, %add3A_612 : i32
          %mul3A_614 = arith.constant 128 : i32
          %mul3A_615 = arith.muli %add3A_613, %mul3A_614 : i32
          %dma_start3A_616 = arith.constant 0 : i32
          %dma_start3A_617 = arith.constant 0 : i32
          %dma_start3A_618 = arith.constant 0 : i32
          %dma_start3A_619 = tpu.memref_slice %arg5[%dma_start3A_616, %dma_start3A_618] : memref<6x128xi32, #tpu.memory_space<vmem>> -> memref<1x128xi32, #tpu.memory_space<vmem>>
          %dma_start3A_620 = tpu.memref_squeeze %dma_start3A_619 : memref<1x128xi32, #tpu.memory_space<vmem>> -> memref<128xi32, #tpu.memory_space<vmem>>
          %dma_start3A_621 = tpu.memref_slice %arg3[%mul3A_615] : memref<320000xi32, #tpu.memory_space<hbm>> -> memref<128xi32, #tpu.memory_space<hbm>>
          %dma_start3A_622 = tpu.memref_slice %arg7[%dma_start3A_617] : memref<6x!tpu.dma_semaphore, #tpu.memory_space<semaphore_mem>> -> memref<1x!tpu.dma_semaphore, #tpu.memory_space<semaphore_mem>>
          %dma_start3A_623 = tpu.memref_squeeze %dma_start3A_622 : memref<1x!tpu.dma_semaphore, #tpu.memory_space<semaphore_mem>> -> memref<!tpu.dma_semaphore, #tpu.memory_space<semaphore_mem>>
          %dma_start3A_624 = arith.constant 0 : i32
          %dma_start3A_625 = tpu.memref_slice %arg5[%dma_start3A_616, %dma_start3A_624] : memref<6x128xi32, #tpu.memory_space<vmem>> -> memref<1x128xi32, #tpu.memory_space<vmem>>
          %dma_start3A_626 = tpu.memref_squeeze %dma_start3A_625 : memref<1x128xi32, #tpu.memory_space<vmem>> -> memref<128xi32, #tpu.memory_space<vmem>>
          %dma_start3A_627 = tpu.memref_slice %arg3[%mul3A_615] : memref<320000xi32, #tpu.memory_space<hbm>> -> memref<128xi32, #tpu.memory_space<hbm>>
          tpu.enqueue_dma source(%dma_start3A_627 : memref<128xi32, #tpu.memory_space<hbm>>) target(%dma_start3A_626 : memref<128xi32, #tpu.memory_space<vmem>>) target_semaphore(%dma_start3A_623 : memref<!tpu.dma_semaphore, #tpu.memory_space<semaphore_mem>>)
        } else {
        }
        %dma_start3A_595 = arith.constant 0 : i32
        %dma_start3A_596 = arith.constant 0 : i32
        %dma_start3A_597 = arith.constant 0 : i32
        %dma_start3A_598 = arith.constant 0 : i32
        %dma_start3A_599 = tpu.memref_slice %arg6[%dma_start3A_595, %dma_start3A_597, %dma_start3A_598] : memref<6x128x128xf32, #tpu.memory_space<vmem>> -> memref<1x128x128xf32, #tpu.memory_space<vmem>>
        %dma_start3A_600 = tpu.memref_squeeze %dma_start3A_599 : memref<1x128x128xf32, #tpu.memory_space<vmem>> -> memref<128x128xf32, #tpu.memory_space<vmem>>
        %dma_start3A_601 = arith.constant 0 : i32
        %dma_start3A_602 = tpu.memref_slice %arg4[%mul3A_572, %dma_start3A_601] : memref<320000x128xf32, #tpu.memory_space<hbm>> -> memref<128x128xf32, #tpu.memory_space<hbm>>
        %dma_start3A_603 = tpu.memref_slice %arg9[%dma_start3A_596] : memref<6x!tpu.dma_semaphore, #tpu.memory_space<semaphore_mem>> -> memref<1x!tpu.dma_semaphore, #tpu.memory_space<semaphore_mem>>
        %dma_start3A_604 = tpu.memref_squeeze %dma_start3A_603 : memref<1x!tpu.dma_semaphore, #tpu.memory_space<semaphore_mem>> -> memref<!tpu.dma_semaphore, #tpu.memory_space<semaphore_mem>>
        %dma_start3A_605 = arith.constant 0 : i32
        %dma_start3A_606 = tpu.memref_slice %arg4[%mul3A_572, %dma_start3A_605] : memref<320000x128xf32, #tpu.memory_space<hbm>> -> memref<128x128xf32, #tpu.memory_space<hbm>>
        %dma_start3A_607 = arith.constant 0 : i32
        %dma_start3A_608 = arith.constant 0 : i32
        %dma_start3A_609 = tpu.memref_slice %arg6[%dma_start3A_595, %dma_start3A_607, %dma_start3A_608] : memref<6x128x128xf32, #tpu.memory_space<vmem>> -> memref<1x128x128xf32, #tpu.memory_space<vmem>>
        %dma_start3A_610 = tpu.memref_squeeze %dma_start3A_609 : memref<1x128x128xf32, #tpu.memory_space<vmem>> -> memref<128x128xf32, #tpu.memory_space<vmem>>
        tpu.enqueue_dma source(%dma_start3A_610 : memref<128x128xf32, #tpu.memory_space<vmem>>) target(%dma_start3A_606 : memref<128x128xf32, #tpu.memory_space<hbm>>) target_semaphore(%dma_start3A_604 : memref<!tpu.dma_semaphore, #tpu.memory_space<semaphore_mem>>)
      } else {
      }
      %add3A_485 = arith.constant 4 : i32
      %add3A_486 = arith.addi %mul3A_318, %add3A_485 : i32
      %add3A_487 = arith.addi %mul3A_2, %add3A_486 : i32
      %mul3A_488 = arith.constant 128 : i32
      %mul3A_489 = arith.muli %add3A_487, %mul3A_488 : i32
      %gt3A_490 = arith.constant 0 : i32
      %gt3A_491 = arith.cmpi sgt, %mul3A_318, %gt3A_490 : i32
      %convert_element_type3A_492 = arith.extui %gt3A_491 : i1 to i32
      %cond3A_493 = arith.constant 0 : i32
      %cond3A_494 = arith.cmpi ne, %convert_element_type3A_492, %cond3A_493 : i32
      scf.if %cond3A_494 {
        %dma_wait3A_569 = arith.constant 4 : i32
        %dma_wait3A_570 = arith.constant 4 : i32
        %dma_wait3A_571 = arith.constant 0 : i32
        %dma_wait3A_572 = arith.constant 0 : i32
        %dma_wait3A_573 = tpu.memref_slice %arg6[%dma_wait3A_569, %dma_wait3A_571, %dma_wait3A_572] : memref<6x128x128xf32, #tpu.memory_space<vmem>> -> memref<1x128x128xf32, #tpu.memory_space<vmem>>
        %dma_wait3A_574 = tpu.memref_squeeze %dma_wait3A_573 : memref<1x128x128xf32, #tpu.memory_space<vmem>> -> memref<128x128xf32, #tpu.memory_space<vmem>>
        %dma_wait3A_575 = arith.constant 0 : i32
        %dma_wait3A_576 = tpu.memref_slice %arg4[%mul3A_489, %dma_wait3A_575] : memref<320000x128xf32, #tpu.memory_space<hbm>> -> memref<128x128xf32, #tpu.memory_space<hbm>>
        %dma_wait3A_577 = tpu.memref_slice %arg9[%dma_wait3A_570] : memref<6x!tpu.dma_semaphore, #tpu.memory_space<semaphore_mem>> -> memref<1x!tpu.dma_semaphore, #tpu.memory_space<semaphore_mem>>
        %dma_wait3A_578 = tpu.memref_squeeze %dma_wait3A_577 : memref<1x!tpu.dma_semaphore, #tpu.memory_space<semaphore_mem>> -> memref<!tpu.dma_semaphore, #tpu.memory_space<semaphore_mem>>
        %dma_wait3A_579 = arith.constant 0 : i32
        %dma_wait3A_580 = tpu.memref_slice %arg4[%mul3A_489, %dma_wait3A_579] : memref<320000x128xf32, #tpu.memory_space<hbm>> -> memref<128x128xf32, #tpu.memory_space<hbm>>
        %dma_wait3A_581 = arith.constant 0 : i32
        %dma_wait3A_582 = arith.constant 0 : i32
        %dma_wait3A_583 = tpu.memref_slice %arg6[%dma_wait3A_569, %dma_wait3A_581, %dma_wait3A_582] : memref<6x128x128xf32, #tpu.memory_space<vmem>> -> memref<1x128x128xf32, #tpu.memory_space<vmem>>
        %dma_wait3A_584 = tpu.memref_squeeze %dma_wait3A_583 : memref<1x128x128xf32, #tpu.memory_space<vmem>> -> memref<128x128xf32, #tpu.memory_space<vmem>>
        tpu.wait_dma2 semaphore(%dma_wait3A_578 : memref<!tpu.dma_semaphore, #tpu.memory_space<semaphore_mem>>) src(%dma_wait3A_584 : memref<128x128xf32, #tpu.memory_space<vmem>>) dst(%dma_wait3A_580 : memref<128x128xf32, #tpu.memory_space<hbm>>)
      } else {
      }
      %dma_wait3A_495 = arith.constant 4 : i32
      %dma_wait3A_496 = arith.constant 4 : i32
      %dma_wait3A_497 = arith.constant 0 : i32
      %dma_wait3A_498 = tpu.memref_slice %arg5[%dma_wait3A_495, %dma_wait3A_497] : memref<6x128xi32, #tpu.memory_space<vmem>> -> memref<1x128xi32, #tpu.memory_space<vmem>>
      %dma_wait3A_499 = tpu.memref_squeeze %dma_wait3A_498 : memref<1x128xi32, #tpu.memory_space<vmem>> -> memref<128xi32, #tpu.memory_space<vmem>>
      %dma_wait3A_500 = tpu.memref_slice %arg3[%mul3A_489] : memref<320000xi32, #tpu.memory_space<hbm>> -> memref<128xi32, #tpu.memory_space<hbm>>
      %dma_wait3A_501 = tpu.memref_slice %arg7[%dma_wait3A_496] : memref<6x!tpu.dma_semaphore, #tpu.memory_space<semaphore_mem>> -> memref<1x!tpu.dma_semaphore, #tpu.memory_space<semaphore_mem>>
      %dma_wait3A_502 = tpu.memref_squeeze %dma_wait3A_501 : memref<1x!tpu.dma_semaphore, #tpu.memory_space<semaphore_mem>> -> memref<!tpu.dma_semaphore, #tpu.memory_space<semaphore_mem>>
      %dma_wait3A_503 = arith.constant 0 : i32
      %dma_wait3A_504 = tpu.memref_slice %arg5[%dma_wait3A_495, %dma_wait3A_503] : memref<6x128xi32, #tpu.memory_space<vmem>> -> memref<1x128xi32, #tpu.memory_space<vmem>>
      %dma_wait3A_505 = tpu.memref_squeeze %dma_wait3A_504 : memref<1x128xi32, #tpu.memory_space<vmem>> -> memref<128xi32, #tpu.memory_space<vmem>>
      %dma_wait3A_506 = tpu.memref_slice %arg3[%mul3A_489] : memref<320000xi32, #tpu.memory_space<hbm>> -> memref<128xi32, #tpu.memory_space<hbm>>
      tpu.wait_dma2 semaphore(%dma_wait3A_502 : memref<!tpu.dma_semaphore, #tpu.memory_space<semaphore_mem>>) src(%dma_wait3A_506 : memref<128xi32, #tpu.memory_space<hbm>>) dst(%dma_wait3A_505 : memref<128xi32, #tpu.memory_space<vmem>>)
      %dma_start3A_507 = arith.constant 4 : i32
      %dma_start3A_508 = arith.constant 4 : i32
      %dma_start3A_509 = arith.constant 4 : i32
      %dma_start3A_510 = arith.constant 0 : i32
      %dma_start3A_511 = arith.constant 0 : i32
      %dma_start3A_512 = tpu.memref_slice %arg6[%dma_start3A_508, %dma_start3A_510, %dma_start3A_511] : memref<6x128x128xf32, #tpu.memory_space<vmem>> -> memref<1x128x128xf32, #tpu.memory_space<vmem>>
      %dma_start3A_513 = tpu.memref_squeeze %dma_start3A_512 : memref<1x128x128xf32, #tpu.memory_space<vmem>> -> memref<128x128xf32, #tpu.memory_space<vmem>>
      %dma_start3A_514 = arith.constant 0 : i32
      %dma_start3A_515 = tpu.memref_slice %arg5[%dma_start3A_507, %dma_start3A_514] : memref<6x128xi32, #tpu.memory_space<vmem>> -> memref<1x128xi32, #tpu.memory_space<vmem>>
      %dma_start3A_516 = tpu.memref_squeeze %dma_start3A_515 : memref<1x128xi32, #tpu.memory_space<vmem>> -> memref<128xi32, #tpu.memory_space<vmem>>
      %dma_start3A_517 = arith.constant 0 : i32
      %dma_start3A_518 = arith.constant 0 : i32
      %dma_start3A_519 = tpu.memref_slice %arg2[%dma_start3A_517, %dma_start3A_518] : memref<10000x128xf32, #tpu.memory_space<hbm>> -> memref<10000x128xf32, #tpu.memory_space<hbm>>
      %dma_start3A_520 = tpu.memref_slice %arg8[%dma_start3A_509] : memref<6x!tpu.dma_semaphore, #tpu.memory_space<semaphore_mem>> -> memref<1x!tpu.dma_semaphore, #tpu.memory_space<semaphore_mem>>
      %dma_start3A_521 = tpu.memref_squeeze %dma_start3A_520 : memref<1x!tpu.dma_semaphore, #tpu.memory_space<semaphore_mem>> -> memref<!tpu.dma_semaphore, #tpu.memory_space<semaphore_mem>>
      tpu.enqueue_indirect_dma source(%dma_start3A_519 : memref<10000x128xf32, #tpu.memory_space<hbm>>) target(%dma_start3A_513 : memref<128x128xf32, #tpu.memory_space<vmem>>) offsets(%dma_start3A_516 : memref<128xi32, #tpu.memory_space<vmem>>) semaphore(%dma_start3A_521 : memref<!tpu.dma_semaphore, #tpu.memory_space<semaphore_mem>>)
      %ge3A_522 = arith.constant 3 : i32
      %ge3A_523 = arith.cmpi sge, %add3A_486, %ge3A_522 : i32
      %convert_element_type3A_524 = arith.extui %ge3A_523 : i1 to i32
      %cond3A_525 = arith.constant 0 : i32
      %cond3A_526 = arith.cmpi ne, %convert_element_type3A_524, %cond3A_525 : i32
      scf.if %cond3A_526 {
        %sub3A = arith.constant 3 : i32
        %sub3A_569 = arith.subi %add3A_486, %sub3A : i32
        %add3A_570 = arith.addi %mul3A_2, %sub3A_569 : i32
        %mul3A_571 = arith.constant 128 : i32
        %mul3A_572 = arith.muli %add3A_570, %mul3A_571 : i32
        %dma_wait3A_573 = arith.constant 1 : i32
        %dma_wait3A_574 = arith.constant 1 : i32
        %dma_wait3A_575 = arith.constant 1 : i32
        %dma_wait3A_576 = arith.constant 0 : i32
        %dma_wait3A_577 = arith.constant 0 : i32
        %dma_wait3A_578 = tpu.memref_slice %arg6[%dma_wait3A_574, %dma_wait3A_576, %dma_wait3A_577] : memref<6x128x128xf32, #tpu.memory_space<vmem>> -> memref<1x128x128xf32, #tpu.memory_space<vmem>>
        %dma_wait3A_579 = tpu.memref_squeeze %dma_wait3A_578 : memref<1x128x128xf32, #tpu.memory_space<vmem>> -> memref<128x128xf32, #tpu.memory_space<vmem>>
        %dma_wait3A_580 = arith.constant 0 : i32
        %dma_wait3A_581 = tpu.memref_slice %arg5[%dma_wait3A_573, %dma_wait3A_580] : memref<6x128xi32, #tpu.memory_space<vmem>> -> memref<1x128xi32, #tpu.memory_space<vmem>>
        %dma_wait3A_582 = tpu.memref_squeeze %dma_wait3A_581 : memref<1x128xi32, #tpu.memory_space<vmem>> -> memref<128xi32, #tpu.memory_space<vmem>>
        %dma_wait3A_583 = arith.constant 0 : i32
        %dma_wait3A_584 = arith.constant 0 : i32
        %dma_wait3A_585 = tpu.memref_slice %arg2[%dma_wait3A_583, %dma_wait3A_584] : memref<10000x128xf32, #tpu.memory_space<hbm>> -> memref<10000x128xf32, #tpu.memory_space<hbm>>
        %dma_wait3A_586 = tpu.memref_slice %arg8[%dma_wait3A_575] : memref<6x!tpu.dma_semaphore, #tpu.memory_space<semaphore_mem>> -> memref<1x!tpu.dma_semaphore, #tpu.memory_space<semaphore_mem>>
        %dma_wait3A_587 = tpu.memref_squeeze %dma_wait3A_586 : memref<1x!tpu.dma_semaphore, #tpu.memory_space<semaphore_mem>> -> memref<!tpu.dma_semaphore, #tpu.memory_space<semaphore_mem>>
        tpu.wait_indirect_dma semaphore(%dma_wait3A_587 : memref<!tpu.dma_semaphore, #tpu.memory_space<semaphore_mem>>) src(%dma_wait3A_585 : memref<10000x128xf32, #tpu.memory_space<hbm>>) dst(%dma_wait3A_579 : memref<128x128xf32, #tpu.memory_space<vmem>>)
        %add3A_588 = arith.constant 6 : i32
        %add3A_589 = arith.addi %sub3A_569, %add3A_588 : i32
        %lt3A_590 = arith.constant 78 : i32
        %lt3A_591 = arith.cmpi slt, %add3A_589, %lt3A_590 : i32
        %convert_element_type3A_592 = arith.extui %lt3A_591 : i1 to i32
        %cond3A_593 = arith.constant 0 : i32
        %cond3A_594 = arith.cmpi ne, %convert_element_type3A_592, %cond3A_593 : i32
        scf.if %cond3A_594 {
          %add3A_611 = arith.constant 6 : i32
          %add3A_612 = arith.addi %sub3A_569, %add3A_611 : i32
          %add3A_613 = arith.addi %mul3A_2, %add3A_612 : i32
          %mul3A_614 = arith.constant 128 : i32
          %mul3A_615 = arith.muli %add3A_613, %mul3A_614 : i32
          %dma_start3A_616 = arith.constant 1 : i32
          %dma_start3A_617 = arith.constant 1 : i32
          %dma_start3A_618 = arith.constant 0 : i32
          %dma_start3A_619 = tpu.memref_slice %arg5[%dma_start3A_616, %dma_start3A_618] : memref<6x128xi32, #tpu.memory_space<vmem>> -> memref<1x128xi32, #tpu.memory_space<vmem>>
          %dma_start3A_620 = tpu.memref_squeeze %dma_start3A_619 : memref<1x128xi32, #tpu.memory_space<vmem>> -> memref<128xi32, #tpu.memory_space<vmem>>
          %dma_start3A_621 = tpu.memref_slice %arg3[%mul3A_615] : memref<320000xi32, #tpu.memory_space<hbm>> -> memref<128xi32, #tpu.memory_space<hbm>>
          %dma_start3A_622 = tpu.memref_slice %arg7[%dma_start3A_617] : memref<6x!tpu.dma_semaphore, #tpu.memory_space<semaphore_mem>> -> memref<1x!tpu.dma_semaphore, #tpu.memory_space<semaphore_mem>>
          %dma_start3A_623 = tpu.memref_squeeze %dma_start3A_622 : memref<1x!tpu.dma_semaphore, #tpu.memory_space<semaphore_mem>> -> memref<!tpu.dma_semaphore, #tpu.memory_space<semaphore_mem>>
          %dma_start3A_624 = arith.constant 0 : i32
          %dma_start3A_625 = tpu.memref_slice %arg5[%dma_start3A_616, %dma_start3A_624] : memref<6x128xi32, #tpu.memory_space<vmem>> -> memref<1x128xi32, #tpu.memory_space<vmem>>
          %dma_start3A_626 = tpu.memref_squeeze %dma_start3A_625 : memref<1x128xi32, #tpu.memory_space<vmem>> -> memref<128xi32, #tpu.memory_space<vmem>>
          %dma_start3A_627 = tpu.memref_slice %arg3[%mul3A_615] : memref<320000xi32, #tpu.memory_space<hbm>> -> memref<128xi32, #tpu.memory_space<hbm>>
          tpu.enqueue_dma source(%dma_start3A_627 : memref<128xi32, #tpu.memory_space<hbm>>) target(%dma_start3A_626 : memref<128xi32, #tpu.memory_space<vmem>>) target_semaphore(%dma_start3A_623 : memref<!tpu.dma_semaphore, #tpu.memory_space<semaphore_mem>>)
        } else {
        }
        %dma_start3A_595 = arith.constant 1 : i32
        %dma_start3A_596 = arith.constant 1 : i32
        %dma_start3A_597 = arith.constant 0 : i32
        %dma_start3A_598 = arith.constant 0 : i32
        %dma_start3A_599 = tpu.memref_slice %arg6[%dma_start3A_595, %dma_start3A_597, %dma_start3A_598] : memref<6x128x128xf32, #tpu.memory_space<vmem>> -> memref<1x128x128xf32, #tpu.memory_space<vmem>>
        %dma_start3A_600 = tpu.memref_squeeze %dma_start3A_599 : memref<1x128x128xf32, #tpu.memory_space<vmem>> -> memref<128x128xf32, #tpu.memory_space<vmem>>
        %dma_start3A_601 = arith.constant 0 : i32
        %dma_start3A_602 = tpu.memref_slice %arg4[%mul3A_572, %dma_start3A_601] : memref<320000x128xf32, #tpu.memory_space<hbm>> -> memref<128x128xf32, #tpu.memory_space<hbm>>
        %dma_start3A_603 = tpu.memref_slice %arg9[%dma_start3A_596] : memref<6x!tpu.dma_semaphore, #tpu.memory_space<semaphore_mem>> -> memref<1x!tpu.dma_semaphore, #tpu.memory_space<semaphore_mem>>
        %dma_start3A_604 = tpu.memref_squeeze %dma_start3A_603 : memref<1x!tpu.dma_semaphore, #tpu.memory_space<semaphore_mem>> -> memref<!tpu.dma_semaphore, #tpu.memory_space<semaphore_mem>>
        %dma_start3A_605 = arith.constant 0 : i32
        %dma_start3A_606 = tpu.memref_slice %arg4[%mul3A_572, %dma_start3A_605] : memref<320000x128xf32, #tpu.memory_space<hbm>> -> memref<128x128xf32, #tpu.memory_space<hbm>>
        %dma_start3A_607 = arith.constant 0 : i32
        %dma_start3A_608 = arith.constant 0 : i32
        %dma_start3A_609 = tpu.memref_slice %arg6[%dma_start3A_595, %dma_start3A_607, %dma_start3A_608] : memref<6x128x128xf32, #tpu.memory_space<vmem>> -> memref<1x128x128xf32, #tpu.memory_space<vmem>>
        %dma_start3A_610 = tpu.memref_squeeze %dma_start3A_609 : memref<1x128x128xf32, #tpu.memory_space<vmem>> -> memref<128x128xf32, #tpu.memory_space<vmem>>
        tpu.enqueue_dma source(%dma_start3A_610 : memref<128x128xf32, #tpu.memory_space<vmem>>) target(%dma_start3A_606 : memref<128x128xf32, #tpu.memory_space<hbm>>) target_semaphore(%dma_start3A_604 : memref<!tpu.dma_semaphore, #tpu.memory_space<semaphore_mem>>)
      } else {
      }
      %add3A_527 = arith.constant 5 : i32
      %add3A_528 = arith.addi %mul3A_318, %add3A_527 : i32
      %add3A_529 = arith.addi %mul3A_2, %add3A_528 : i32
      %mul3A_530 = arith.constant 128 : i32
      %mul3A_531 = arith.muli %add3A_529, %mul3A_530 : i32
      %gt3A_532 = arith.constant 0 : i32
      %gt3A_533 = arith.cmpi sgt, %mul3A_318, %gt3A_532 : i32
      %convert_element_type3A_534 = arith.extui %gt3A_533 : i1 to i32
      %cond3A_535 = arith.constant 0 : i32
      %cond3A_536 = arith.cmpi ne, %convert_element_type3A_534, %cond3A_535 : i32
      scf.if %cond3A_536 {
        %dma_wait3A_569 = arith.constant 5 : i32
        %dma_wait3A_570 = arith.constant 5 : i32
        %dma_wait3A_571 = arith.constant 0 : i32
        %dma_wait3A_572 = arith.constant 0 : i32
        %dma_wait3A_573 = tpu.memref_slice %arg6[%dma_wait3A_569, %dma_wait3A_571, %dma_wait3A_572] : memref<6x128x128xf32, #tpu.memory_space<vmem>> -> memref<1x128x128xf32, #tpu.memory_space<vmem>>
        %dma_wait3A_574 = tpu.memref_squeeze %dma_wait3A_573 : memref<1x128x128xf32, #tpu.memory_space<vmem>> -> memref<128x128xf32, #tpu.memory_space<vmem>>
        %dma_wait3A_575 = arith.constant 0 : i32
        %dma_wait3A_576 = tpu.memref_slice %arg4[%mul3A_531, %dma_wait3A_575] : memref<320000x128xf32, #tpu.memory_space<hbm>> -> memref<128x128xf32, #tpu.memory_space<hbm>>
        %dma_wait3A_577 = tpu.memref_slice %arg9[%dma_wait3A_570] : memref<6x!tpu.dma_semaphore, #tpu.memory_space<semaphore_mem>> -> memref<1x!tpu.dma_semaphore, #tpu.memory_space<semaphore_mem>>
        %dma_wait3A_578 = tpu.memref_squeeze %dma_wait3A_577 : memref<1x!tpu.dma_semaphore, #tpu.memory_space<semaphore_mem>> -> memref<!tpu.dma_semaphore, #tpu.memory_space<semaphore_mem>>
        %dma_wait3A_579 = arith.constant 0 : i32
        %dma_wait3A_580 = tpu.memref_slice %arg4[%mul3A_531, %dma_wait3A_579] : memref<320000x128xf32, #tpu.memory_space<hbm>> -> memref<128x128xf32, #tpu.memory_space<hbm>>
        %dma_wait3A_581 = arith.constant 0 : i32
        %dma_wait3A_582 = arith.constant 0 : i32
        %dma_wait3A_583 = tpu.memref_slice %arg6[%dma_wait3A_569, %dma_wait3A_581, %dma_wait3A_582] : memref<6x128x128xf32, #tpu.memory_space<vmem>> -> memref<1x128x128xf32, #tpu.memory_space<vmem>>
        %dma_wait3A_584 = tpu.memref_squeeze %dma_wait3A_583 : memref<1x128x128xf32, #tpu.memory_space<vmem>> -> memref<128x128xf32, #tpu.memory_space<vmem>>
        tpu.wait_dma2 semaphore(%dma_wait3A_578 : memref<!tpu.dma_semaphore, #tpu.memory_space<semaphore_mem>>) src(%dma_wait3A_584 : memref<128x128xf32, #tpu.memory_space<vmem>>) dst(%dma_wait3A_580 : memref<128x128xf32, #tpu.memory_space<hbm>>)
      } else {
      }
      %dma_wait3A_537 = arith.constant 5 : i32
      %dma_wait3A_538 = arith.constant 5 : i32
      %dma_wait3A_539 = arith.constant 0 : i32
      %dma_wait3A_540 = tpu.memref_slice %arg5[%dma_wait3A_537, %dma_wait3A_539] : memref<6x128xi32, #tpu.memory_space<vmem>> -> memref<1x128xi32, #tpu.memory_space<vmem>>
      %dma_wait3A_541 = tpu.memref_squeeze %dma_wait3A_540 : memref<1x128xi32, #tpu.memory_space<vmem>> -> memref<128xi32, #tpu.memory_space<vmem>>
      %dma_wait3A_542 = tpu.memref_slice %arg3[%mul3A_531] : memref<320000xi32, #tpu.memory_space<hbm>> -> memref<128xi32, #tpu.memory_space<hbm>>
      %dma_wait3A_543 = tpu.memref_slice %arg7[%dma_wait3A_538] : memref<6x!tpu.dma_semaphore, #tpu.memory_space<semaphore_mem>> -> memref<1x!tpu.dma_semaphore, #tpu.memory_space<semaphore_mem>>
      %dma_wait3A_544 = tpu.memref_squeeze %dma_wait3A_543 : memref<1x!tpu.dma_semaphore, #tpu.memory_space<semaphore_mem>> -> memref<!tpu.dma_semaphore, #tpu.memory_space<semaphore_mem>>
      %dma_wait3A_545 = arith.constant 0 : i32
      %dma_wait3A_546 = tpu.memref_slice %arg5[%dma_wait3A_537, %dma_wait3A_545] : memref<6x128xi32, #tpu.memory_space<vmem>> -> memref<1x128xi32, #tpu.memory_space<vmem>>
      %dma_wait3A_547 = tpu.memref_squeeze %dma_wait3A_546 : memref<1x128xi32, #tpu.memory_space<vmem>> -> memref<128xi32, #tpu.memory_space<vmem>>
      %dma_wait3A_548 = tpu.memref_slice %arg3[%mul3A_531] : memref<320000xi32, #tpu.memory_space<hbm>> -> memref<128xi32, #tpu.memory_space<hbm>>
      tpu.wait_dma2 semaphore(%dma_wait3A_544 : memref<!tpu.dma_semaphore, #tpu.memory_space<semaphore_mem>>) src(%dma_wait3A_548 : memref<128xi32, #tpu.memory_space<hbm>>) dst(%dma_wait3A_547 : memref<128xi32, #tpu.memory_space<vmem>>)
      %dma_start3A_549 = arith.constant 5 : i32
      %dma_start3A_550 = arith.constant 5 : i32
      %dma_start3A_551 = arith.constant 5 : i32
      %dma_start3A_552 = arith.constant 0 : i32
      %dma_start3A_553 = arith.constant 0 : i32
      %dma_start3A_554 = tpu.memref_slice %arg6[%dma_start3A_550, %dma_start3A_552, %dma_start3A_553] : memref<6x128x128xf32, #tpu.memory_space<vmem>> -> memref<1x128x128xf32, #tpu.memory_space<vmem>>
      %dma_start3A_555 = tpu.memref_squeeze %dma_start3A_554 : memref<1x128x128xf32, #tpu.memory_space<vmem>> -> memref<128x128xf32, #tpu.memory_space<vmem>>
      %dma_start3A_556 = arith.constant 0 : i32
      %dma_start3A_557 = tpu.memref_slice %arg5[%dma_start3A_549, %dma_start3A_556] : memref<6x128xi32, #tpu.memory_space<vmem>> -> memref<1x128xi32, #tpu.memory_space<vmem>>
      %dma_start3A_558 = tpu.memref_squeeze %dma_start3A_557 : memref<1x128xi32, #tpu.memory_space<vmem>> -> memref<128xi32, #tpu.memory_space<vmem>>
      %dma_start3A_559 = arith.constant 0 : i32
      %dma_start3A_560 = arith.constant 0 : i32
      %dma_start3A_561 = tpu.memref_slice %arg2[%dma_start3A_559, %dma_start3A_560] : memref<10000x128xf32, #tpu.memory_space<hbm>> -> memref<10000x128xf32, #tpu.memory_space<hbm>>
      %dma_start3A_562 = tpu.memref_slice %arg8[%dma_start3A_551] : memref<6x!tpu.dma_semaphore, #tpu.memory_space<semaphore_mem>> -> memref<1x!tpu.dma_semaphore, #tpu.memory_space<semaphore_mem>>
      %dma_start3A_563 = tpu.memref_squeeze %dma_start3A_562 : memref<1x!tpu.dma_semaphore, #tpu.memory_space<semaphore_mem>> -> memref<!tpu.dma_semaphore, #tpu.memory_space<semaphore_mem>>
      tpu.enqueue_indirect_dma source(%dma_start3A_561 : memref<10000x128xf32, #tpu.memory_space<hbm>>) target(%dma_start3A_555 : memref<128x128xf32, #tpu.memory_space<vmem>>) offsets(%dma_start3A_558 : memref<128xi32, #tpu.memory_space<vmem>>) semaphore(%dma_start3A_563 : memref<!tpu.dma_semaphore, #tpu.memory_space<semaphore_mem>>)
      %ge3A_564 = arith.constant 3 : i32
      %ge3A_565 = arith.cmpi sge, %add3A_528, %ge3A_564 : i32
      %convert_element_type3A_566 = arith.extui %ge3A_565 : i1 to i32
      %cond3A_567 = arith.constant 0 : i32
      %cond3A_568 = arith.cmpi ne, %convert_element_type3A_566, %cond3A_567 : i32
      scf.if %cond3A_568 {
        %sub3A = arith.constant 3 : i32
        %sub3A_569 = arith.subi %add3A_528, %sub3A : i32
        %add3A_570 = arith.addi %mul3A_2, %sub3A_569 : i32
        %mul3A_571 = arith.constant 128 : i32
        %mul3A_572 = arith.muli %add3A_570, %mul3A_571 : i32
        %dma_wait3A_573 = arith.constant 2 : i32
        %dma_wait3A_574 = arith.constant 2 : i32
        %dma_wait3A_575 = arith.constant 2 : i32
        %dma_wait3A_576 = arith.constant 0 : i32
        %dma_wait3A_577 = arith.constant 0 : i32
        %dma_wait3A_578 = tpu.memref_slice %arg6[%dma_wait3A_574, %dma_wait3A_576, %dma_wait3A_577] : memref<6x128x128xf32, #tpu.memory_space<vmem>> -> memref<1x128x128xf32, #tpu.memory_space<vmem>>
        %dma_wait3A_579 = tpu.memref_squeeze %dma_wait3A_578 : memref<1x128x128xf32, #tpu.memory_space<vmem>> -> memref<128x128xf32, #tpu.memory_space<vmem>>
        %dma_wait3A_580 = arith.constant 0 : i32
        %dma_wait3A_581 = tpu.memref_slice %arg5[%dma_wait3A_573, %dma_wait3A_580] : memref<6x128xi32, #tpu.memory_space<vmem>> -> memref<1x128xi32, #tpu.memory_space<vmem>>
        %dma_wait3A_582 = tpu.memref_squeeze %dma_wait3A_581 : memref<1x128xi32, #tpu.memory_space<vmem>> -> memref<128xi32, #tpu.memory_space<vmem>>
        %dma_wait3A_583 = arith.constant 0 : i32
        %dma_wait3A_584 = arith.constant 0 : i32
        %dma_wait3A_585 = tpu.memref_slice %arg2[%dma_wait3A_583, %dma_wait3A_584] : memref<10000x128xf32, #tpu.memory_space<hbm>> -> memref<10000x128xf32, #tpu.memory_space<hbm>>
        %dma_wait3A_586 = tpu.memref_slice %arg8[%dma_wait3A_575] : memref<6x!tpu.dma_semaphore, #tpu.memory_space<semaphore_mem>> -> memref<1x!tpu.dma_semaphore, #tpu.memory_space<semaphore_mem>>
        %dma_wait3A_587 = tpu.memref_squeeze %dma_wait3A_586 : memref<1x!tpu.dma_semaphore, #tpu.memory_space<semaphore_mem>> -> memref<!tpu.dma_semaphore, #tpu.memory_space<semaphore_mem>>
        tpu.wait_indirect_dma semaphore(%dma_wait3A_587 : memref<!tpu.dma_semaphore, #tpu.memory_space<semaphore_mem>>) src(%dma_wait3A_585 : memref<10000x128xf32, #tpu.memory_space<hbm>>) dst(%dma_wait3A_579 : memref<128x128xf32, #tpu.memory_space<vmem>>)
        %add3A_588 = arith.constant 6 : i32
        %add3A_589 = arith.addi %sub3A_569, %add3A_588 : i32
        %lt3A_590 = arith.constant 78 : i32
        %lt3A_591 = arith.cmpi slt, %add3A_589, %lt3A_590 : i32
        %convert_element_type3A_592 = arith.extui %lt3A_591 : i1 to i32
        %cond3A_593 = arith.constant 0 : i32
        %cond3A_594 = arith.cmpi ne, %convert_element_type3A_592, %cond3A_593 : i32
        scf.if %cond3A_594 {
          %add3A_611 = arith.constant 6 : i32
          %add3A_612 = arith.addi %sub3A_569, %add3A_611 : i32
          %add3A_613 = arith.addi %mul3A_2, %add3A_612 : i32
          %mul3A_614 = arith.constant 128 : i32
          %mul3A_615 = arith.muli %add3A_613, %mul3A_614 : i32
          %dma_start3A_616 = arith.constant 2 : i32
          %dma_start3A_617 = arith.constant 2 : i32
          %dma_start3A_618 = arith.constant 0 : i32
          %dma_start3A_619 = tpu.memref_slice %arg5[%dma_start3A_616, %dma_start3A_618] : memref<6x128xi32, #tpu.memory_space<vmem>> -> memref<1x128xi32, #tpu.memory_space<vmem>>
          %dma_start3A_620 = tpu.memref_squeeze %dma_start3A_619 : memref<1x128xi32, #tpu.memory_space<vmem>> -> memref<128xi32, #tpu.memory_space<vmem>>
          %dma_start3A_621 = tpu.memref_slice %arg3[%mul3A_615] : memref<320000xi32, #tpu.memory_space<hbm>> -> memref<128xi32, #tpu.memory_space<hbm>>
          %dma_start3A_622 = tpu.memref_slice %arg7[%dma_start3A_617] : memref<6x!tpu.dma_semaphore, #tpu.memory_space<semaphore_mem>> -> memref<1x!tpu.dma_semaphore, #tpu.memory_space<semaphore_mem>>
          %dma_start3A_623 = tpu.memref_squeeze %dma_start3A_622 : memref<1x!tpu.dma_semaphore, #tpu.memory_space<semaphore_mem>> -> memref<!tpu.dma_semaphore, #tpu.memory_space<semaphore_mem>>
          %dma_start3A_624 = arith.constant 0 : i32
          %dma_start3A_625 = tpu.memref_slice %arg5[%dma_start3A_616, %dma_start3A_624] : memref<6x128xi32, #tpu.memory_space<vmem>> -> memref<1x128xi32, #tpu.memory_space<vmem>>
          %dma_start3A_626 = tpu.memref_squeeze %dma_start3A_625 : memref<1x128xi32, #tpu.memory_space<vmem>> -> memref<128xi32, #tpu.memory_space<vmem>>
          %dma_start3A_627 = tpu.memref_slice %arg3[%mul3A_615] : memref<320000xi32, #tpu.memory_space<hbm>> -> memref<128xi32, #tpu.memory_space<hbm>>
          tpu.enqueue_dma source(%dma_start3A_627 : memref<128xi32, #tpu.memory_space<hbm>>) target(%dma_start3A_626 : memref<128xi32, #tpu.memory_space<vmem>>) target_semaphore(%dma_start3A_623 : memref<!tpu.dma_semaphore, #tpu.memory_space<semaphore_mem>>)
        } else {
        }
        %dma_start3A_595 = arith.constant 2 : i32
        %dma_start3A_596 = arith.constant 2 : i32
        %dma_start3A_597 = arith.constant 0 : i32
        %dma_start3A_598 = arith.constant 0 : i32
        %dma_start3A_599 = tpu.memref_slice %arg6[%dma_start3A_595, %dma_start3A_597, %dma_start3A_598] : memref<6x128x128xf32, #tpu.memory_space<vmem>> -> memref<1x128x128xf32, #tpu.memory_space<vmem>>
        %dma_start3A_600 = tpu.memref_squeeze %dma_start3A_599 : memref<1x128x128xf32, #tpu.memory_space<vmem>> -> memref<128x128xf32, #tpu.memory_space<vmem>>
        %dma_start3A_601 = arith.constant 0 : i32
        %dma_start3A_602 = tpu.memref_slice %arg4[%mul3A_572, %dma_start3A_601] : memref<320000x128xf32, #tpu.memory_space<hbm>> -> memref<128x128xf32, #tpu.memory_space<hbm>>
        %dma_start3A_603 = tpu.memref_slice %arg9[%dma_start3A_596] : memref<6x!tpu.dma_semaphore, #tpu.memory_space<semaphore_mem>> -> memref<1x!tpu.dma_semaphore, #tpu.memory_space<semaphore_mem>>
        %dma_start3A_604 = tpu.memref_squeeze %dma_start3A_603 : memref<1x!tpu.dma_semaphore, #tpu.memory_space<semaphore_mem>> -> memref<!tpu.dma_semaphore, #tpu.memory_space<semaphore_mem>>
        %dma_start3A_605 = arith.constant 0 : i32
        %dma_start3A_606 = tpu.memref_slice %arg4[%mul3A_572, %dma_start3A_605] : memref<320000x128xf32, #tpu.memory_space<hbm>> -> memref<128x128xf32, #tpu.memory_space<hbm>>
        %dma_start3A_607 = arith.constant 0 : i32
        %dma_start3A_608 = arith.constant 0 : i32
        %dma_start3A_609 = tpu.memref_slice %arg6[%dma_start3A_595, %dma_start3A_607, %dma_start3A_608] : memref<6x128x128xf32, #tpu.memory_space<vmem>> -> memref<1x128x128xf32, #tpu.memory_space<vmem>>
        %dma_start3A_610 = tpu.memref_squeeze %dma_start3A_609 : memref<1x128x128xf32, #tpu.memory_space<vmem>> -> memref<128x128xf32, #tpu.memory_space<vmem>>
        tpu.enqueue_dma source(%dma_start3A_610 : memref<128x128xf32, #tpu.memory_space<vmem>>) target(%dma_start3A_606 : memref<128x128xf32, #tpu.memory_space<hbm>>) target_semaphore(%dma_start3A_604 : memref<!tpu.dma_semaphore, #tpu.memory_space<semaphore_mem>>)
      } else {
      }
    }
    %scan3A_101 = arith.constant 13 : i32
    %add3A_102 = arith.constant 75 : i32
    %add3A_103 = arith.addi %mul3A_2, %add3A_102 : i32
    %mul3A_104 = arith.constant 128 : i32
    %mul3A_105 = arith.muli %add3A_103, %mul3A_104 : i32
    %dma_wait3A = arith.constant 3 : i32
    %dma_wait3A_106 = arith.constant 3 : i32
    %dma_wait3A_107 = arith.constant 3 : i32
    %dma_wait3A_108 = arith.constant 0 : i32
    %dma_wait3A_109 = arith.constant 0 : i32
    %dma_wait3A_110 = tpu.memref_slice %arg6[%dma_wait3A_106, %dma_wait3A_108, %dma_wait3A_109] : memref<6x128x128xf32, #tpu.memory_space<vmem>> -> memref<1x128x128xf32, #tpu.memory_space<vmem>>
    %dma_wait3A_111 = tpu.memref_squeeze %dma_wait3A_110 : memref<1x128x128xf32, #tpu.memory_space<vmem>> -> memref<128x128xf32, #tpu.memory_space<vmem>>
    %dma_wait3A_112 = arith.constant 0 : i32
    %dma_wait3A_113 = tpu.memref_slice %arg5[%dma_wait3A, %dma_wait3A_112] : memref<6x128xi32, #tpu.memory_space<vmem>> -> memref<1x128xi32, #tpu.memory_space<vmem>>
    %dma_wait3A_114 = tpu.memref_squeeze %dma_wait3A_113 : memref<1x128xi32, #tpu.memory_space<vmem>> -> memref<128xi32, #tpu.memory_space<vmem>>
    %dma_wait3A_115 = arith.constant 0 : i32
    %dma_wait3A_116 = arith.constant 0 : i32
    %dma_wait3A_117 = tpu.memref_slice %arg2[%dma_wait3A_115, %dma_wait3A_116] : memref<10000x128xf32, #tpu.memory_space<hbm>> -> memref<10000x128xf32, #tpu.memory_space<hbm>>
    %dma_wait3A_118 = tpu.memref_slice %arg8[%dma_wait3A_107] : memref<6x!tpu.dma_semaphore, #tpu.memory_space<semaphore_mem>> -> memref<1x!tpu.dma_semaphore, #tpu.memory_space<semaphore_mem>>
    %dma_wait3A_119 = tpu.memref_squeeze %dma_wait3A_118 : memref<1x!tpu.dma_semaphore, #tpu.memory_space<semaphore_mem>> -> memref<!tpu.dma_semaphore, #tpu.memory_space<semaphore_mem>>
    tpu.wait_indirect_dma semaphore(%dma_wait3A_119 : memref<!tpu.dma_semaphore, #tpu.memory_space<semaphore_mem>>) src(%dma_wait3A_117 : memref<10000x128xf32, #tpu.memory_space<hbm>>) dst(%dma_wait3A_111 : memref<128x128xf32, #tpu.memory_space<vmem>>)
    %dma_start3A_120 = arith.constant 3 : i32
    %dma_start3A_121 = arith.constant 3 : i32
    %dma_start3A_122 = arith.constant 0 : i32
    %dma_start3A_123 = arith.constant 0 : i32
    %dma_start3A_124 = tpu.memref_slice %arg6[%dma_start3A_120, %dma_start3A_122, %dma_start3A_123] : memref<6x128x128xf32, #tpu.memory_space<vmem>> -> memref<1x128x128xf32, #tpu.memory_space<vmem>>
    %dma_start3A_125 = tpu.memref_squeeze %dma_start3A_124 : memref<1x128x128xf32, #tpu.memory_space<vmem>> -> memref<128x128xf32, #tpu.memory_space<vmem>>
    %dma_start3A_126 = arith.constant 0 : i32
    %dma_start3A_127 = tpu.memref_slice %arg4[%mul3A_105, %dma_start3A_126] : memref<320000x128xf32, #tpu.memory_space<hbm>> -> memref<128x128xf32, #tpu.memory_space<hbm>>
    %dma_start3A_128 = tpu.memref_slice %arg9[%dma_start3A_121] : memref<6x!tpu.dma_semaphore, #tpu.memory_space<semaphore_mem>> -> memref<1x!tpu.dma_semaphore, #tpu.memory_space<semaphore_mem>>
    %dma_start3A_129 = tpu.memref_squeeze %dma_start3A_128 : memref<1x!tpu.dma_semaphore, #tpu.memory_space<semaphore_mem>> -> memref<!tpu.dma_semaphore, #tpu.memory_space<semaphore_mem>>
    %dma_start3A_130 = arith.constant 0 : i32
    %dma_start3A_131 = tpu.memref_slice %arg4[%mul3A_105, %dma_start3A_130] : memref<320000x128xf32, #tpu.memory_space<hbm>> -> memref<128x128xf32, #tpu.memory_space<hbm>>
    %dma_start3A_132 = arith.constant 0 : i32
    %dma_start3A_133 = arith.constant 0 : i32
    %dma_start3A_134 = tpu.memref_slice %arg6[%dma_start3A_120, %dma_start3A_132, %dma_start3A_133] : memref<6x128x128xf32, #tpu.memory_space<vmem>> -> memref<1x128x128xf32, #tpu.memory_space<vmem>>
    %dma_start3A_135 = tpu.memref_squeeze %dma_start3A_134 : memref<1x128x128xf32, #tpu.memory_space<vmem>> -> memref<128x128xf32, #tpu.memory_space<vmem>>
    tpu.enqueue_dma source(%dma_start3A_135 : memref<128x128xf32, #tpu.memory_space<vmem>>) target(%dma_start3A_131 : memref<128x128xf32, #tpu.memory_space<hbm>>) target_semaphore(%dma_start3A_129 : memref<!tpu.dma_semaphore, #tpu.memory_space<semaphore_mem>>)
    %add3A_136 = arith.constant 76 : i32
    %add3A_137 = arith.addi %mul3A_2, %add3A_136 : i32
    %mul3A_138 = arith.constant 128 : i32
    %mul3A_139 = arith.muli %add3A_137, %mul3A_138 : i32
    %dma_wait3A_140 = arith.constant 4 : i32
    %dma_wait3A_141 = arith.constant 4 : i32
    %dma_wait3A_142 = arith.constant 4 : i32
    %dma_wait3A_143 = arith.constant 0 : i32
    %dma_wait3A_144 = arith.constant 0 : i32
    %dma_wait3A_145 = tpu.memref_slice %arg6[%dma_wait3A_141, %dma_wait3A_143, %dma_wait3A_144] : memref<6x128x128xf32, #tpu.memory_space<vmem>> -> memref<1x128x128xf32, #tpu.memory_space<vmem>>
    %dma_wait3A_146 = tpu.memref_squeeze %dma_wait3A_145 : memref<1x128x128xf32, #tpu.memory_space<vmem>> -> memref<128x128xf32, #tpu.memory_space<vmem>>
    %dma_wait3A_147 = arith.constant 0 : i32
    %dma_wait3A_148 = tpu.memref_slice %arg5[%dma_wait3A_140, %dma_wait3A_147] : memref<6x128xi32, #tpu.memory_space<vmem>> -> memref<1x128xi32, #tpu.memory_space<vmem>>
    %dma_wait3A_149 = tpu.memref_squeeze %dma_wait3A_148 : memref<1x128xi32, #tpu.memory_space<vmem>> -> memref<128xi32, #tpu.memory_space<vmem>>
    %dma_wait3A_150 = arith.constant 0 : i32
    %dma_wait3A_151 = arith.constant 0 : i32
    %dma_wait3A_152 = tpu.memref_slice %arg2[%dma_wait3A_150, %dma_wait3A_151] : memref<10000x128xf32, #tpu.memory_space<hbm>> -> memref<10000x128xf32, #tpu.memory_space<hbm>>
    %dma_wait3A_153 = tpu.memref_slice %arg8[%dma_wait3A_142] : memref<6x!tpu.dma_semaphore, #tpu.memory_space<semaphore_mem>> -> memref<1x!tpu.dma_semaphore, #tpu.memory_space<semaphore_mem>>
    %dma_wait3A_154 = tpu.memref_squeeze %dma_wait3A_153 : memref<1x!tpu.dma_semaphore, #tpu.memory_space<semaphore_mem>> -> memref<!tpu.dma_semaphore, #tpu.memory_space<semaphore_mem>>
    tpu.wait_indirect_dma semaphore(%dma_wait3A_154 : memref<!tpu.dma_semaphore, #tpu.memory_space<semaphore_mem>>) src(%dma_wait3A_152 : memref<10000x128xf32, #tpu.memory_space<hbm>>) dst(%dma_wait3A_146 : memref<128x128xf32, #tpu.memory_space<vmem>>)
    %dma_start3A_155 = arith.constant 4 : i32
    %dma_start3A_156 = arith.constant 4 : i32
    %dma_start3A_157 = arith.constant 0 : i32
    %dma_start3A_158 = arith.constant 0 : i32
    %dma_start3A_159 = tpu.memref_slice %arg6[%dma_start3A_155, %dma_start3A_157, %dma_start3A_158] : memref<6x128x128xf32, #tpu.memory_space<vmem>> -> memref<1x128x128xf32, #tpu.memory_space<vmem>>
    %dma_start3A_160 = tpu.memref_squeeze %dma_start3A_159 : memref<1x128x128xf32, #tpu.memory_space<vmem>> -> memref<128x128xf32, #tpu.memory_space<vmem>>
    %dma_start3A_161 = arith.constant 0 : i32
    %dma_start3A_162 = tpu.memref_slice %arg4[%mul3A_139, %dma_start3A_161] : memref<320000x128xf32, #tpu.memory_space<hbm>> -> memref<128x128xf32, #tpu.memory_space<hbm>>
    %dma_start3A_163 = tpu.memref_slice %arg9[%dma_start3A_156] : memref<6x!tpu.dma_semaphore, #tpu.memory_space<semaphore_mem>> -> memref<1x!tpu.dma_semaphore, #tpu.memory_space<semaphore_mem>>
    %dma_start3A_164 = tpu.memref_squeeze %dma_start3A_163 : memref<1x!tpu.dma_semaphore, #tpu.memory_space<semaphore_mem>> -> memref<!tpu.dma_semaphore, #tpu.memory_space<semaphore_mem>>
    %dma_start3A_165 = arith.constant 0 : i32
    %dma_start3A_166 = tpu.memref_slice %arg4[%mul3A_139, %dma_start3A_165] : memref<320000x128xf32, #tpu.memory_space<hbm>> -> memref<128x128xf32, #tpu.memory_space<hbm>>
    %dma_start3A_167 = arith.constant 0 : i32
    %dma_start3A_168 = arith.constant 0 : i32
    %dma_start3A_169 = tpu.memref_slice %arg6[%dma_start3A_155, %dma_start3A_167, %dma_start3A_168] : memref<6x128x128xf32, #tpu.memory_space<vmem>> -> memref<1x128x128xf32, #tpu.memory_space<vmem>>
    %dma_start3A_170 = tpu.memref_squeeze %dma_start3A_169 : memref<1x128x128xf32, #tpu.memory_space<vmem>> -> memref<128x128xf32, #tpu.memory_space<vmem>>
    tpu.enqueue_dma source(%dma_start3A_170 : memref<128x128xf32, #tpu.memory_space<vmem>>) target(%dma_start3A_166 : memref<128x128xf32, #tpu.memory_space<hbm>>) target_semaphore(%dma_start3A_164 : memref<!tpu.dma_semaphore, #tpu.memory_space<semaphore_mem>>)
    %add3A_171 = arith.constant 77 : i32
    %add3A_172 = arith.addi %mul3A_2, %add3A_171 : i32
    %mul3A_173 = arith.constant 128 : i32
    %mul3A_174 = arith.muli %add3A_172, %mul3A_173 : i32
    %dma_wait3A_175 = arith.constant 5 : i32
    %dma_wait3A_176 = arith.constant 5 : i32
    %dma_wait3A_177 = arith.constant 5 : i32
    %dma_wait3A_178 = arith.constant 0 : i32
    %dma_wait3A_179 = arith.constant 0 : i32
    %dma_wait3A_180 = tpu.memref_slice %arg6[%dma_wait3A_176, %dma_wait3A_178, %dma_wait3A_179] : memref<6x128x128xf32, #tpu.memory_space<vmem>> -> memref<1x128x128xf32, #tpu.memory_space<vmem>>
    %dma_wait3A_181 = tpu.memref_squeeze %dma_wait3A_180 : memref<1x128x128xf32, #tpu.memory_space<vmem>> -> memref<128x128xf32, #tpu.memory_space<vmem>>
    %dma_wait3A_182 = arith.constant 0 : i32
    %dma_wait3A_183 = tpu.memref_slice %arg5[%dma_wait3A_175, %dma_wait3A_182] : memref<6x128xi32, #tpu.memory_space<vmem>> -> memref<1x128xi32, #tpu.memory_space<vmem>>
    %dma_wait3A_184 = tpu.memref_squeeze %dma_wait3A_183 : memref<1x128xi32, #tpu.memory_space<vmem>> -> memref<128xi32, #tpu.memory_space<vmem>>
    %dma_wait3A_185 = arith.constant 0 : i32
    %dma_wait3A_186 = arith.constant 0 : i32
    %dma_wait3A_187 = tpu.memref_slice %arg2[%dma_wait3A_185, %dma_wait3A_186] : memref<10000x128xf32, #tpu.memory_space<hbm>> -> memref<10000x128xf32, #tpu.memory_space<hbm>>
    %dma_wait3A_188 = tpu.memref_slice %arg8[%dma_wait3A_177] : memref<6x!tpu.dma_semaphore, #tpu.memory_space<semaphore_mem>> -> memref<1x!tpu.dma_semaphore, #tpu.memory_space<semaphore_mem>>
    %dma_wait3A_189 = tpu.memref_squeeze %dma_wait3A_188 : memref<1x!tpu.dma_semaphore, #tpu.memory_space<semaphore_mem>> -> memref<!tpu.dma_semaphore, #tpu.memory_space<semaphore_mem>>
    tpu.wait_indirect_dma semaphore(%dma_wait3A_189 : memref<!tpu.dma_semaphore, #tpu.memory_space<semaphore_mem>>) src(%dma_wait3A_187 : memref<10000x128xf32, #tpu.memory_space<hbm>>) dst(%dma_wait3A_181 : memref<128x128xf32, #tpu.memory_space<vmem>>)
    %dma_start3A_190 = arith.constant 5 : i32
    %dma_start3A_191 = arith.constant 5 : i32
    %dma_start3A_192 = arith.constant 0 : i32
    %dma_start3A_193 = arith.constant 0 : i32
    %dma_start3A_194 = tpu.memref_slice %arg6[%dma_start3A_190, %dma_start3A_192, %dma_start3A_193] : memref<6x128x128xf32, #tpu.memory_space<vmem>> -> memref<1x128x128xf32, #tpu.memory_space<vmem>>
    %dma_start3A_195 = tpu.memref_squeeze %dma_start3A_194 : memref<1x128x128xf32, #tpu.memory_space<vmem>> -> memref<128x128xf32, #tpu.memory_space<vmem>>
    %dma_start3A_196 = arith.constant 0 : i32
    %dma_start3A_197 = tpu.memref_slice %arg4[%mul3A_174, %dma_start3A_196] : memref<320000x128xf32, #tpu.memory_space<hbm>> -> memref<128x128xf32, #tpu.memory_space<hbm>>
    %dma_start3A_198 = tpu.memref_slice %arg9[%dma_start3A_191] : memref<6x!tpu.dma_semaphore, #tpu.memory_space<semaphore_mem>> -> memref<1x!tpu.dma_semaphore, #tpu.memory_space<semaphore_mem>>
    %dma_start3A_199 = tpu.memref_squeeze %dma_start3A_198 : memref<1x!tpu.dma_semaphore, #tpu.memory_space<semaphore_mem>> -> memref<!tpu.dma_semaphore, #tpu.memory_space<semaphore_mem>>
    %dma_start3A_200 = arith.constant 0 : i32
    %dma_start3A_201 = tpu.memref_slice %arg4[%mul3A_174, %dma_start3A_200] : memref<320000x128xf32, #tpu.memory_space<hbm>> -> memref<128x128xf32, #tpu.memory_space<hbm>>
    %dma_start3A_202 = arith.constant 0 : i32
    %dma_start3A_203 = arith.constant 0 : i32
    %dma_start3A_204 = tpu.memref_slice %arg6[%dma_start3A_190, %dma_start3A_202, %dma_start3A_203] : memref<6x128x128xf32, #tpu.memory_space<vmem>> -> memref<1x128x128xf32, #tpu.memory_space<vmem>>
    %dma_start3A_205 = tpu.memref_squeeze %dma_start3A_204 : memref<1x128x128xf32, #tpu.memory_space<vmem>> -> memref<128x128xf32, #tpu.memory_space<vmem>>
    tpu.enqueue_dma source(%dma_start3A_205 : memref<128x128xf32, #tpu.memory_space<vmem>>) target(%dma_start3A_201 : memref<128x128xf32, #tpu.memory_space<hbm>>) target_semaphore(%dma_start3A_199 : memref<!tpu.dma_semaphore, #tpu.memory_space<semaphore_mem>>)
    %dma_wait3A_206 = arith.constant 0 : i32
    %dma_wait3A_207 = arith.constant 0 : i32
    %dma_wait3A_208 = arith.constant 0 : i32
    %dma_wait3A_209 = arith.constant 0 : i32
    %dma_wait3A_210 = tpu.memref_slice %arg6[%dma_wait3A_206, %dma_wait3A_208, %dma_wait3A_209] : memref<6x128x128xf32, #tpu.memory_space<vmem>> -> memref<1x128x128xf32, #tpu.memory_space<vmem>>
    %dma_wait3A_211 = tpu.memref_squeeze %dma_wait3A_210 : memref<1x128x128xf32, #tpu.memory_space<vmem>> -> memref<128x128xf32, #tpu.memory_space<vmem>>
    %dma_wait3A_212 = arith.constant 0 : i32
    %dma_wait3A_213 = arith.constant 0 : i32
    %dma_wait3A_214 = tpu.memref_slice %arg4[%dma_wait3A_212, %dma_wait3A_213] : memref<320000x128xf32, #tpu.memory_space<hbm>> -> memref<128x128xf32, #tpu.memory_space<hbm>>
    %dma_wait3A_215 = tpu.memref_slice %arg9[%dma_wait3A_207] : memref<6x!tpu.dma_semaphore, #tpu.memory_space<semaphore_mem>> -> memref<1x!tpu.dma_semaphore, #tpu.memory_space<semaphore_mem>>
    %dma_wait3A_216 = tpu.memref_squeeze %dma_wait3A_215 : memref<1x!tpu.dma_semaphore, #tpu.memory_space<semaphore_mem>> -> memref<!tpu.dma_semaphore, #tpu.memory_space<semaphore_mem>>
    %dma_wait3A_217 = arith.constant 0 : i32
    %dma_wait3A_218 = arith.constant 0 : i32
    %dma_wait3A_219 = tpu.memref_slice %arg4[%dma_wait3A_217, %dma_wait3A_218] : memref<320000x128xf32, #tpu.memory_space<hbm>> -> memref<128x128xf32, #tpu.memory_space<hbm>>
    %dma_wait3A_220 = arith.constant 0 : i32
    %dma_wait3A_221 = arith.constant 0 : i32
    %dma_wait3A_222 = tpu.memref_slice %arg6[%dma_wait3A_206, %dma_wait3A_220, %dma_wait3A_221] : memref<6x128x128xf32, #tpu.memory_space<vmem>> -> memref<1x128x128xf32, #tpu.memory_space<vmem>>
    %dma_wait3A_223 = tpu.memref_squeeze %dma_wait3A_222 : memref<1x128x128xf32, #tpu.memory_space<vmem>> -> memref<128x128xf32, #tpu.memory_space<vmem>>
    tpu.wait_dma2 semaphore(%dma_wait3A_216 : memref<!tpu.dma_semaphore, #tpu.memory_space<semaphore_mem>>) src(%dma_wait3A_223 : memref<128x128xf32, #tpu.memory_space<vmem>>) dst(%dma_wait3A_219 : memref<128x128xf32, #tpu.memory_space<hbm>>)
    %dma_wait3A_224 = arith.constant 1 : i32
    %dma_wait3A_225 = arith.constant 1 : i32
    %dma_wait3A_226 = arith.constant 0 : i32
    %dma_wait3A_227 = arith.constant 0 : i32
    %dma_wait3A_228 = tpu.memref_slice %arg6[%dma_wait3A_224, %dma_wait3A_226, %dma_wait3A_227] : memref<6x128x128xf32, #tpu.memory_space<vmem>> -> memref<1x128x128xf32, #tpu.memory_space<vmem>>
    %dma_wait3A_229 = tpu.memref_squeeze %dma_wait3A_228 : memref<1x128x128xf32, #tpu.memory_space<vmem>> -> memref<128x128xf32, #tpu.memory_space<vmem>>
    %dma_wait3A_230 = arith.constant 128 : i32
    %dma_wait3A_231 = arith.constant 0 : i32
    %dma_wait3A_232 = tpu.memref_slice %arg4[%dma_wait3A_230, %dma_wait3A_231] : memref<320000x128xf32, #tpu.memory_space<hbm>> -> memref<128x128xf32, #tpu.memory_space<hbm>>
    %dma_wait3A_233 = tpu.memref_slice %arg9[%dma_wait3A_225] : memref<6x!tpu.dma_semaphore, #tpu.memory_space<semaphore_mem>> -> memref<1x!tpu.dma_semaphore, #tpu.memory_space<semaphore_mem>>
    %dma_wait3A_234 = tpu.memref_squeeze %dma_wait3A_233 : memref<1x!tpu.dma_semaphore, #tpu.memory_space<semaphore_mem>> -> memref<!tpu.dma_semaphore, #tpu.memory_space<semaphore_mem>>
    %dma_wait3A_235 = arith.constant 128 : i32
    %dma_wait3A_236 = arith.constant 0 : i32
    %dma_wait3A_237 = tpu.memref_slice %arg4[%dma_wait3A_235, %dma_wait3A_236] : memref<320000x128xf32, #tpu.memory_space<hbm>> -> memref<128x128xf32, #tpu.memory_space<hbm>>
    %dma_wait3A_238 = arith.constant 0 : i32
    %dma_wait3A_239 = arith.constant 0 : i32
    %dma_wait3A_240 = tpu.memref_slice %arg6[%dma_wait3A_224, %dma_wait3A_238, %dma_wait3A_239] : memref<6x128x128xf32, #tpu.memory_space<vmem>> -> memref<1x128x128xf32, #tpu.memory_space<vmem>>
    %dma_wait3A_241 = tpu.memref_squeeze %dma_wait3A_240 : memref<1x128x128xf32, #tpu.memory_space<vmem>> -> memref<128x128xf32, #tpu.memory_space<vmem>>
    tpu.wait_dma2 semaphore(%dma_wait3A_234 : memref<!tpu.dma_semaphore, #tpu.memory_space<semaphore_mem>>) src(%dma_wait3A_241 : memref<128x128xf32, #tpu.memory_space<vmem>>) dst(%dma_wait3A_237 : memref<128x128xf32, #tpu.memory_space<hbm>>)
    %dma_wait3A_242 = arith.constant 2 : i32
    %dma_wait3A_243 = arith.constant 2 : i32
    %dma_wait3A_244 = arith.constant 0 : i32
    %dma_wait3A_245 = arith.constant 0 : i32
    %dma_wait3A_246 = tpu.memref_slice %arg6[%dma_wait3A_242, %dma_wait3A_244, %dma_wait3A_245] : memref<6x128x128xf32, #tpu.memory_space<vmem>> -> memref<1x128x128xf32, #tpu.memory_space<vmem>>
    %dma_wait3A_247 = tpu.memref_squeeze %dma_wait3A_246 : memref<1x128x128xf32, #tpu.memory_space<vmem>> -> memref<128x128xf32, #tpu.memory_space<vmem>>
    %dma_wait3A_248 = arith.constant 256 : i32
    %dma_wait3A_249 = arith.constant 0 : i32
    %dma_wait3A_250 = tpu.memref_slice %arg4[%dma_wait3A_248, %dma_wait3A_249] : memref<320000x128xf32, #tpu.memory_space<hbm>> -> memref<128x128xf32, #tpu.memory_space<hbm>>
    %dma_wait3A_251 = tpu.memref_slice %arg9[%dma_wait3A_243] : memref<6x!tpu.dma_semaphore, #tpu.memory_space<semaphore_mem>> -> memref<1x!tpu.dma_semaphore, #tpu.memory_space<semaphore_mem>>
    %dma_wait3A_252 = tpu.memref_squeeze %dma_wait3A_251 : memref<1x!tpu.dma_semaphore, #tpu.memory_space<semaphore_mem>> -> memref<!tpu.dma_semaphore, #tpu.memory_space<semaphore_mem>>
    %dma_wait3A_253 = arith.constant 256 : i32
    %dma_wait3A_254 = arith.constant 0 : i32
    %dma_wait3A_255 = tpu.memref_slice %arg4[%dma_wait3A_253, %dma_wait3A_254] : memref<320000x128xf32, #tpu.memory_space<hbm>> -> memref<128x128xf32, #tpu.memory_space<hbm>>
    %dma_wait3A_256 = arith.constant 0 : i32
    %dma_wait3A_257 = arith.constant 0 : i32
    %dma_wait3A_258 = tpu.memref_slice %arg6[%dma_wait3A_242, %dma_wait3A_256, %dma_wait3A_257] : memref<6x128x128xf32, #tpu.memory_space<vmem>> -> memref<1x128x128xf32, #tpu.memory_space<vmem>>
    %dma_wait3A_259 = tpu.memref_squeeze %dma_wait3A_258 : memref<1x128x128xf32, #tpu.memory_space<vmem>> -> memref<128x128xf32, #tpu.memory_space<vmem>>
    tpu.wait_dma2 semaphore(%dma_wait3A_252 : memref<!tpu.dma_semaphore, #tpu.memory_space<semaphore_mem>>) src(%dma_wait3A_259 : memref<128x128xf32, #tpu.memory_space<vmem>>) dst(%dma_wait3A_255 : memref<128x128xf32, #tpu.memory_space<hbm>>)
    %dma_wait3A_260 = arith.constant 3 : i32
    %dma_wait3A_261 = arith.constant 3 : i32
    %dma_wait3A_262 = arith.constant 0 : i32
    %dma_wait3A_263 = arith.constant 0 : i32
    %dma_wait3A_264 = tpu.memref_slice %arg6[%dma_wait3A_260, %dma_wait3A_262, %dma_wait3A_263] : memref<6x128x128xf32, #tpu.memory_space<vmem>> -> memref<1x128x128xf32, #tpu.memory_space<vmem>>
    %dma_wait3A_265 = tpu.memref_squeeze %dma_wait3A_264 : memref<1x128x128xf32, #tpu.memory_space<vmem>> -> memref<128x128xf32, #tpu.memory_space<vmem>>
    %dma_wait3A_266 = arith.constant 384 : i32
    %dma_wait3A_267 = arith.constant 0 : i32
    %dma_wait3A_268 = tpu.memref_slice %arg4[%dma_wait3A_266, %dma_wait3A_267] : memref<320000x128xf32, #tpu.memory_space<hbm>> -> memref<128x128xf32, #tpu.memory_space<hbm>>
    %dma_wait3A_269 = tpu.memref_slice %arg9[%dma_wait3A_261] : memref<6x!tpu.dma_semaphore, #tpu.memory_space<semaphore_mem>> -> memref<1x!tpu.dma_semaphore, #tpu.memory_space<semaphore_mem>>
    %dma_wait3A_270 = tpu.memref_squeeze %dma_wait3A_269 : memref<1x!tpu.dma_semaphore, #tpu.memory_space<semaphore_mem>> -> memref<!tpu.dma_semaphore, #tpu.memory_space<semaphore_mem>>
    %dma_wait3A_271 = arith.constant 384 : i32
    %dma_wait3A_272 = arith.constant 0 : i32
    %dma_wait3A_273 = tpu.memref_slice %arg4[%dma_wait3A_271, %dma_wait3A_272] : memref<320000x128xf32, #tpu.memory_space<hbm>> -> memref<128x128xf32, #tpu.memory_space<hbm>>
    %dma_wait3A_274 = arith.constant 0 : i32
    %dma_wait3A_275 = arith.constant 0 : i32
    %dma_wait3A_276 = tpu.memref_slice %arg6[%dma_wait3A_260, %dma_wait3A_274, %dma_wait3A_275] : memref<6x128x128xf32, #tpu.memory_space<vmem>> -> memref<1x128x128xf32, #tpu.memory_space<vmem>>
    %dma_wait3A_277 = tpu.memref_squeeze %dma_wait3A_276 : memref<1x128x128xf32, #tpu.memory_space<vmem>> -> memref<128x128xf32, #tpu.memory_space<vmem>>
    tpu.wait_dma2 semaphore(%dma_wait3A_270 : memref<!tpu.dma_semaphore, #tpu.memory_space<semaphore_mem>>) src(%dma_wait3A_277 : memref<128x128xf32, #tpu.memory_space<vmem>>) dst(%dma_wait3A_273 : memref<128x128xf32, #tpu.memory_space<hbm>>)
    %dma_wait3A_278 = arith.constant 4 : i32
    %dma_wait3A_279 = arith.constant 4 : i32
    %dma_wait3A_280 = arith.constant 0 : i32
    %dma_wait3A_281 = arith.constant 0 : i32
    %dma_wait3A_282 = tpu.memref_slice %arg6[%dma_wait3A_278, %dma_wait3A_280, %dma_wait3A_281] : memref<6x128x128xf32, #tpu.memory_space<vmem>> -> memref<1x128x128xf32, #tpu.memory_space<vmem>>
    %dma_wait3A_283 = tpu.memref_squeeze %dma_wait3A_282 : memref<1x128x128xf32, #tpu.memory_space<vmem>> -> memref<128x128xf32, #tpu.memory_space<vmem>>
    %dma_wait3A_284 = arith.constant 512 : i32
    %dma_wait3A_285 = arith.constant 0 : i32
    %dma_wait3A_286 = tpu.memref_slice %arg4[%dma_wait3A_284, %dma_wait3A_285] : memref<320000x128xf32, #tpu.memory_space<hbm>> -> memref<128x128xf32, #tpu.memory_space<hbm>>
    %dma_wait3A_287 = tpu.memref_slice %arg9[%dma_wait3A_279] : memref<6x!tpu.dma_semaphore, #tpu.memory_space<semaphore_mem>> -> memref<1x!tpu.dma_semaphore, #tpu.memory_space<semaphore_mem>>
    %dma_wait3A_288 = tpu.memref_squeeze %dma_wait3A_287 : memref<1x!tpu.dma_semaphore, #tpu.memory_space<semaphore_mem>> -> memref<!tpu.dma_semaphore, #tpu.memory_space<semaphore_mem>>
    %dma_wait3A_289 = arith.constant 512 : i32
    %dma_wait3A_290 = arith.constant 0 : i32
    %dma_wait3A_291 = tpu.memref_slice %arg4[%dma_wait3A_289, %dma_wait3A_290] : memref<320000x128xf32, #tpu.memory_space<hbm>> -> memref<128x128xf32, #tpu.memory_space<hbm>>
    %dma_wait3A_292 = arith.constant 0 : i32
    %dma_wait3A_293 = arith.constant 0 : i32
    %dma_wait3A_294 = tpu.memref_slice %arg6[%dma_wait3A_278, %dma_wait3A_292, %dma_wait3A_293] : memref<6x128x128xf32, #tpu.memory_space<vmem>> -> memref<1x128x128xf32, #tpu.memory_space<vmem>>
    %dma_wait3A_295 = tpu.memref_squeeze %dma_wait3A_294 : memref<1x128x128xf32, #tpu.memory_space<vmem>> -> memref<128x128xf32, #tpu.memory_space<vmem>>
    tpu.wait_dma2 semaphore(%dma_wait3A_288 : memref<!tpu.dma_semaphore, #tpu.memory_space<semaphore_mem>>) src(%dma_wait3A_295 : memref<128x128xf32, #tpu.memory_space<vmem>>) dst(%dma_wait3A_291 : memref<128x128xf32, #tpu.memory_space<hbm>>)
    %dma_wait3A_296 = arith.constant 5 : i32
    %dma_wait3A_297 = arith.constant 5 : i32
    %dma_wait3A_298 = arith.constant 0 : i32
    %dma_wait3A_299 = arith.constant 0 : i32
    %dma_wait3A_300 = tpu.memref_slice %arg6[%dma_wait3A_296, %dma_wait3A_298, %dma_wait3A_299] : memref<6x128x128xf32, #tpu.memory_space<vmem>> -> memref<1x128x128xf32, #tpu.memory_space<vmem>>
    %dma_wait3A_301 = tpu.memref_squeeze %dma_wait3A_300 : memref<1x128x128xf32, #tpu.memory_space<vmem>> -> memref<128x128xf32, #tpu.memory_space<vmem>>
    %dma_wait3A_302 = arith.constant 640 : i32
    %dma_wait3A_303 = arith.constant 0 : i32
    %dma_wait3A_304 = tpu.memref_slice %arg4[%dma_wait3A_302, %dma_wait3A_303] : memref<320000x128xf32, #tpu.memory_space<hbm>> -> memref<128x128xf32, #tpu.memory_space<hbm>>
    %dma_wait3A_305 = tpu.memref_slice %arg9[%dma_wait3A_297] : memref<6x!tpu.dma_semaphore, #tpu.memory_space<semaphore_mem>> -> memref<1x!tpu.dma_semaphore, #tpu.memory_space<semaphore_mem>>
    %dma_wait3A_306 = tpu.memref_squeeze %dma_wait3A_305 : memref<1x!tpu.dma_semaphore, #tpu.memory_space<semaphore_mem>> -> memref<!tpu.dma_semaphore, #tpu.memory_space<semaphore_mem>>
    %dma_wait3A_307 = arith.constant 640 : i32
    %dma_wait3A_308 = arith.constant 0 : i32
    %dma_wait3A_309 = tpu.memref_slice %arg4[%dma_wait3A_307, %dma_wait3A_308] : memref<320000x128xf32, #tpu.memory_space<hbm>> -> memref<128x128xf32, #tpu.memory_space<hbm>>
    %dma_wait3A_310 = arith.constant 0 : i32
    %dma_wait3A_311 = arith.constant 0 : i32
    %dma_wait3A_312 = tpu.memref_slice %arg6[%dma_wait3A_296, %dma_wait3A_310, %dma_wait3A_311] : memref<6x128x128xf32, #tpu.memory_space<vmem>> -> memref<1x128x128xf32, #tpu.memory_space<vmem>>
    %dma_wait3A_313 = tpu.memref_squeeze %dma_wait3A_312 : memref<1x128x128xf32, #tpu.memory_space<vmem>> -> memref<128x128xf32, #tpu.memory_space<vmem>>
    tpu.wait_dma2 semaphore(%dma_wait3A_306 : memref<!tpu.dma_semaphore, #tpu.memory_space<semaphore_mem>>) src(%dma_wait3A_313 : memref<128x128xf32, #tpu.memory_space<vmem>>) dst(%dma_wait3A_309 : memref<128x128xf32, #tpu.memory_space<hbm>>)
    %lt3A = arith.constant 4 : i32
    %lt3A_314 = arith.cmpi slt, %add3A, %lt3A : i32
    %convert_element_type3A = arith.extui %lt3A_314 : i1 to i32
    %cond3A = arith.constant 0 : i32
    %cond3A_315 = arith.cmpi ne, %convert_element_type3A, %cond3A : i32
    scf.if %cond3A_315 {
      %add3A_316 = arith.constant 2496 : i32
      %add3A_317 = arith.addi %add3A_316, %add3A : i32
      %mul3A_318 = arith.constant 128 : i32
      %mul3A_319 = arith.muli %add3A_317, %mul3A_318 : i32
      %run_scoped3A = arith.constant 0 : i32
      "tpu.region"() ({
        %run_scoped3A_351 = tpu.sem_alloc : memref<!tpu.dma_semaphore, #tpu.memory_space<semaphore_mem>>
        %dma_start3A_352 = arith.constant 0 : i32
        %dma_start3A_353 = tpu.memref_slice %arg5[%run_scoped3A, %dma_start3A_352] : memref<6x128xi32, #tpu.memory_space<vmem>> -> memref<1x128xi32, #tpu.memory_space<vmem>>
        %dma_start3A_354 = tpu.memref_squeeze %dma_start3A_353 : memref<1x128xi32, #tpu.memory_space<vmem>> -> memref<128xi32, #tpu.memory_space<vmem>>
        %dma_start3A_355 = tpu.memref_slice %arg3[%mul3A_319] : memref<320000xi32, #tpu.memory_space<hbm>> -> memref<128xi32, #tpu.memory_space<hbm>>
        %dma_start3A_356 = arith.constant 0 : i32
        %dma_start3A_357 = tpu.memref_slice %arg5[%run_scoped3A, %dma_start3A_356] : memref<6x128xi32, #tpu.memory_space<vmem>> -> memref<1x128xi32, #tpu.memory_space<vmem>>
        %dma_start3A_358 = tpu.memref_squeeze %dma_start3A_357 : memref<1x128xi32, #tpu.memory_space<vmem>> -> memref<128xi32, #tpu.memory_space<vmem>>
        %dma_start3A_359 = tpu.memref_slice %arg3[%mul3A_319] : memref<320000xi32, #tpu.memory_space<hbm>> -> memref<128xi32, #tpu.memory_space<hbm>>
        tpu.enqueue_dma source(%dma_start3A_359 : memref<128xi32, #tpu.memory_space<hbm>>) target(%dma_start3A_358 : memref<128xi32, #tpu.memory_space<vmem>>) target_semaphore(%run_scoped3A_351 : memref<!tpu.dma_semaphore, #tpu.memory_space<semaphore_mem>>)
        %dma_wait3A_360 = arith.constant 0 : i32
        %dma_wait3A_361 = tpu.memref_slice %arg5[%run_scoped3A, %dma_wait3A_360] : memref<6x128xi32, #tpu.memory_space<vmem>> -> memref<1x128xi32, #tpu.memory_space<vmem>>
        %dma_wait3A_362 = tpu.memref_squeeze %dma_wait3A_361 : memref<1x128xi32, #tpu.memory_space<vmem>> -> memref<128xi32, #tpu.memory_space<vmem>>
        %dma_wait3A_363 = tpu.memref_slice %arg3[%mul3A_319] : memref<320000xi32, #tpu.memory_space<hbm>> -> memref<128xi32, #tpu.memory_space<hbm>>
        %dma_wait3A_364 = arith.constant 0 : i32
        %dma_wait3A_365 = tpu.memref_slice %arg5[%run_scoped3A, %dma_wait3A_364] : memref<6x128xi32, #tpu.memory_space<vmem>> -> memref<1x128xi32, #tpu.memory_space<vmem>>
        %dma_wait3A_366 = tpu.memref_squeeze %dma_wait3A_365 : memref<1x128xi32, #tpu.memory_space<vmem>> -> memref<128xi32, #tpu.memory_space<vmem>>
        %dma_wait3A_367 = tpu.memref_slice %arg3[%mul3A_319] : memref<320000xi32, #tpu.memory_space<hbm>> -> memref<128xi32, #tpu.memory_space<hbm>>
        tpu.wait_dma2 semaphore(%run_scoped3A_351 : memref<!tpu.dma_semaphore, #tpu.memory_space<semaphore_mem>>) src(%dma_wait3A_367 : memref<128xi32, #tpu.memory_space<hbm>>) dst(%dma_wait3A_366 : memref<128xi32, #tpu.memory_space<vmem>>)
        tpu.yield
      }) : () -> ()
      %dma_start3A_320 = arith.constant 0 : i32
      %dma_start3A_321 = arith.constant 0 : i32
      %dma_start3A_322 = arith.constant 0 : i32
      %dma_start3A_323 = arith.constant 0 : i32
      %dma_start3A_324 = arith.constant 0 : i32
      %dma_start3A_325 = tpu.memref_slice %arg6[%dma_start3A_321, %dma_start3A_323, %dma_start3A_324] : memref<6x128x128xf32, #tpu.memory_space<vmem>> -> memref<1x128x128xf32, #tpu.memory_space<vmem>>
      %dma_start3A_326 = tpu.memref_squeeze %dma_start3A_325 : memref<1x128x128xf32, #tpu.memory_space<vmem>> -> memref<128x128xf32, #tpu.memory_space<vmem>>
      %dma_start3A_327 = arith.constant 0 : i32
      %dma_start3A_328 = tpu.memref_slice %arg5[%dma_start3A_320, %dma_start3A_327] : memref<6x128xi32, #tpu.memory_space<vmem>> -> memref<1x128xi32, #tpu.memory_space<vmem>>
      %dma_start3A_329 = tpu.memref_squeeze %dma_start3A_328 : memref<1x128xi32, #tpu.memory_space<vmem>> -> memref<128xi32, #tpu.memory_space<vmem>>
      %dma_start3A_330 = arith.constant 0 : i32
      %dma_start3A_331 = arith.constant 0 : i32
      %dma_start3A_332 = tpu.memref_slice %arg2[%dma_start3A_330, %dma_start3A_331] : memref<10000x128xf32, #tpu.memory_space<hbm>> -> memref<10000x128xf32, #tpu.memory_space<hbm>>
      %dma_start3A_333 = tpu.memref_slice %arg8[%dma_start3A_322] : memref<6x!tpu.dma_semaphore, #tpu.memory_space<semaphore_mem>> -> memref<1x!tpu.dma_semaphore, #tpu.memory_space<semaphore_mem>>
      %dma_start3A_334 = tpu.memref_squeeze %dma_start3A_333 : memref<1x!tpu.dma_semaphore, #tpu.memory_space<semaphore_mem>> -> memref<!tpu.dma_semaphore, #tpu.memory_space<semaphore_mem>>
      tpu.enqueue_indirect_dma source(%dma_start3A_332 : memref<10000x128xf32, #tpu.memory_space<hbm>>) target(%dma_start3A_326 : memref<128x128xf32, #tpu.memory_space<vmem>>) offsets(%dma_start3A_329 : memref<128xi32, #tpu.memory_space<vmem>>) semaphore(%dma_start3A_334 : memref<!tpu.dma_semaphore, #tpu.memory_space<semaphore_mem>>)
      %dma_wait3A_335 = arith.constant 0 : i32
      %dma_wait3A_336 = arith.constant 0 : i32
      %dma_wait3A_337 = arith.constant 0 : i32
      %dma_wait3A_338 = arith.constant 0 : i32
      %dma_wait3A_339 = arith.constant 0 : i32
      %dma_wait3A_340 = tpu.memref_slice %arg6[%dma_wait3A_336, %dma_wait3A_338, %dma_wait3A_339] : memref<6x128x128xf32, #tpu.memory_space<vmem>> -> memref<1x128x128xf32, #tpu.memory_space<vmem>>
      %dma_wait3A_341 = tpu.memref_squeeze %dma_wait3A_340 : memref<1x128x128xf32, #tpu.memory_space<vmem>> -> memref<128x128xf32, #tpu.memory_space<vmem>>
      %dma_wait3A_342 = arith.constant 0 : i32
      %dma_wait3A_343 = tpu.memref_slice %arg5[%dma_wait3A_335, %dma_wait3A_342] : memref<6x128xi32, #tpu.memory_space<vmem>> -> memref<1x128xi32, #tpu.memory_space<vmem>>
      %dma_wait3A_344 = tpu.memref_squeeze %dma_wait3A_343 : memref<1x128xi32, #tpu.memory_space<vmem>> -> memref<128xi32, #tpu.memory_space<vmem>>
      %dma_wait3A_345 = arith.constant 0 : i32
      %dma_wait3A_346 = arith.constant 0 : i32
      %dma_wait3A_347 = tpu.memref_slice %arg2[%dma_wait3A_345, %dma_wait3A_346] : memref<10000x128xf32, #tpu.memory_space<hbm>> -> memref<10000x128xf32, #tpu.memory_space<hbm>>
      %dma_wait3A_348 = tpu.memref_slice %arg8[%dma_wait3A_337] : memref<6x!tpu.dma_semaphore, #tpu.memory_space<semaphore_mem>> -> memref<1x!tpu.dma_semaphore, #tpu.memory_space<semaphore_mem>>
      %dma_wait3A_349 = tpu.memref_squeeze %dma_wait3A_348 : memref<1x!tpu.dma_semaphore, #tpu.memory_space<semaphore_mem>> -> memref<!tpu.dma_semaphore, #tpu.memory_space<semaphore_mem>>
      tpu.wait_indirect_dma semaphore(%dma_wait3A_349 : memref<!tpu.dma_semaphore, #tpu.memory_space<semaphore_mem>>) src(%dma_wait3A_347 : memref<10000x128xf32, #tpu.memory_space<hbm>>) dst(%dma_wait3A_341 : memref<128x128xf32, #tpu.memory_space<vmem>>)
      %run_scoped3A_350 = arith.constant 0 : i32
      "tpu.region"() ({
        %run_scoped3A_351 = tpu.sem_alloc : memref<!tpu.dma_semaphore, #tpu.memory_space<semaphore_mem>>
        %dma_start3A_352 = arith.constant 0 : i32
        %dma_start3A_353 = arith.constant 0 : i32
        %dma_start3A_354 = tpu.memref_slice %arg6[%run_scoped3A_350, %dma_start3A_352, %dma_start3A_353] : memref<6x128x128xf32, #tpu.memory_space<vmem>> -> memref<1x128x128xf32, #tpu.memory_space<vmem>>
        %dma_start3A_355 = tpu.memref_squeeze %dma_start3A_354 : memref<1x128x128xf32, #tpu.memory_space<vmem>> -> memref<128x128xf32, #tpu.memory_space<vmem>>
        %dma_start3A_356 = arith.constant 0 : i32
        %dma_start3A_357 = tpu.memref_slice %arg4[%mul3A_319, %dma_start3A_356] : memref<320000x128xf32, #tpu.memory_space<hbm>> -> memref<128x128xf32, #tpu.memory_space<hbm>>
        %dma_start3A_358 = arith.constant 0 : i32
        %dma_start3A_359 = tpu.memref_slice %arg4[%mul3A_319, %dma_start3A_358] : memref<320000x128xf32, #tpu.memory_space<hbm>> -> memref<128x128xf32, #tpu.memory_space<hbm>>
        %dma_start3A_360 = arith.constant 0 : i32
        %dma_start3A_361 = arith.constant 0 : i32
        %dma_start3A_362 = tpu.memref_slice %arg6[%run_scoped3A_350, %dma_start3A_360, %dma_start3A_361] : memref<6x128x128xf32, #tpu.memory_space<vmem>> -> memref<1x128x128xf32, #tpu.memory_space<vmem>>
        %dma_start3A_363 = tpu.memref_squeeze %dma_start3A_362 : memref<1x128x128xf32, #tpu.memory_space<vmem>> -> memref<128x128xf32, #tpu.memory_space<vmem>>
        tpu.enqueue_dma source(%dma_start3A_363 : memref<128x128xf32, #tpu.memory_space<vmem>>) target(%dma_start3A_359 : memref<128x128xf32, #tpu.memory_space<hbm>>) target_semaphore(%run_scoped3A_351 : memref<!tpu.dma_semaphore, #tpu.memory_space<semaphore_mem>>)
        %dma_wait3A_364 = arith.constant 0 : i32
        %dma_wait3A_365 = arith.constant 0 : i32
        %dma_wait3A_366 = tpu.memref_slice %arg6[%run_scoped3A_350, %dma_wait3A_364, %dma_wait3A_365] : memref<6x128x128xf32, #tpu.memory_space<vmem>> -> memref<1x128x128xf32, #tpu.memory_space<vmem>>
        %dma_wait3A_367 = tpu.memref_squeeze %dma_wait3A_366 : memref<1x128x128xf32, #tpu.memory_space<vmem>> -> memref<128x128xf32, #tpu.memory_space<vmem>>
        %dma_wait3A_368 = arith.constant 0 : i32
        %dma_wait3A_369 = tpu.memref_slice %arg4[%mul3A_319, %dma_wait3A_368] : memref<320000x128xf32, #tpu.memory_space<hbm>> -> memref<128x128xf32, #tpu.memory_space<hbm>>
        %dma_wait3A_370 = arith.constant 0 : i32
        %dma_wait3A_371 = tpu.memref_slice %arg4[%mul3A_319, %dma_wait3A_370] : memref<320000x128xf32, #tpu.memory_space<hbm>> -> memref<128x128xf32, #tpu.memory_space<hbm>>
        %dma_wait3A_372 = arith.constant 0 : i32
        %dma_wait3A_373 = arith.constant 0 : i32
        %dma_wait3A_374 = tpu.memref_slice %arg6[%run_scoped3A_350, %dma_wait3A_372, %dma_wait3A_373] : memref<6x128x128xf32, #tpu.memory_space<vmem>> -> memref<1x128x128xf32, #tpu.memory_space<vmem>>
        %dma_wait3A_375 = tpu.memref_squeeze %dma_wait3A_374 : memref<1x128x128xf32, #tpu.memory_space<vmem>> -> memref<128x128xf32, #tpu.memory_space<vmem>>
        tpu.wait_dma2 semaphore(%run_scoped3A_351 : memref<!tpu.dma_semaphore, #tpu.memory_space<semaphore_mem>>) src(%dma_wait3A_375 : memref<128x128xf32, #tpu.memory_space<vmem>>) dst(%dma_wait3A_371 : memref<128x128xf32, #tpu.memory_space<hbm>>)
        tpu.yield
      }) : () -> ()
    } else {
    }
    return
  }
}

</mosaic_0001>

<sc_bundles>
// kernel: kernel.3.cloned.1.call-start
scs
__scs_entry_jumppad:
0x0: {  	(pc) =	sbr.rel $0x88, $3  }
0x1: {  	(tag) =	ssettag $0x0;
	lr =	simm.s32 $0x1  }
0x2: {  	[smem:$0x3F9F] =	sst lr;
	_ =	strace $0xD0000000  }
0x3: {  	_ = 	snop  }
0x4: {  	_ = 	snop  }
0x5: {  	_ = 	snop  }
0x6: {  	_ = 	snop  }
0x7: {  	_ = 	snop  }
__scs_overlays_trampoline_lowered:
0x8: {  	[smem:$0x3FAE] =	sst s0  }
0x9: {  	[smem:$0x3FAF] =	sst s1  }
0xa: {  	[smem:$0x3FB0] =	sst s2  }
0xb: {  	[smem:$0x3FB1] =	sst s3  }
0xc: {  	[smem:$0x3FB2] =	sst s4  }
0xd: {  	[smem:$0x3FB3] =	sst s5  }
0xe: {  	[smem:$0x3FB4] =	sst s6  }
0xf: {  	[smem:$0x3FB5] =	sst s7  }
0x10: {  	[smem:$0x3FB6] =	sst s8  }
0x11: {  	[smem:$0x3FB7] =	sst s9;
	s0 =	simm.s32 @!p0 $0x0  }
0x12: {  	s1 =	sld [smem:$0x3F9D];
	s0 =	simm.s32 @p0 $0x1  }
0x13: {  	[smem:$0x3FB8] =	sst s0;
	s0 =	simm.s32 @!p1 $0x0  }
0x14: {  	s2 =	sld [smem:$0x3F9C];
	s0 =	simm.s32 @p1 $0x1  }
0x15: {  	[smem:$0x3FB9] =	sst s0;
	s0 =	simm.s32 @!p2 $0x0  }
0x16: {  	s3 =	sld [smem:$0x3FDB];
	s0 =	simm.s32 @p2 $0x1  }
0x17: {  	s4 =	simm.s32 $0x1BF5;
	[smem:$0x3FBB] =	sst s0  }
0x18: {  	s0 =	sld [smem:$0x3F9E];
	_ =	swait.ge [sflag:s4], $0x0  }
0x19: {  	s7 =	sld [smem:$0x3F9F]  }
0x1a: {  	s8 =	sadd.s32 $0xFFFFE003, lr  }
0x1b: {  	s9 =	sadd.s32 $0xFFFFFEF7, lr;
	s5 =	simm.s32 $0xFFFFFFFF;
	p2 =	slt.u32 s8, $0xFFFFF086  }
0x1c: {  	p1 =	slt.u32 s9, $0xF7A;
	s5 =	simm.s32 @!p2 $0x0  }
0x1d: {  	s5 =	simm.s32 @p1 $0x1;
	p0 =	seq.s32 s7, s2  }
0x1e: {  	s7 =	smul.u32 @!p0 $0xF7A, s2;
	p2 =	seq.s32 @!p0 s5, $0x0  }
0x1f: {  	s9 =	smul.u32 $0xF7A, s1;
	s8 =	simm.s32 @!p0 $0x1BF5;
	p2 =	por !p2, p0  }
0x20: {  	[sflag:s8] =	ssyncset.s32 @!p0 $0xFFFFF086;
	s6 =	sadd.s32 @!p0 s3, s7;
	s7 =	simm.s32 @!p0 $0x108  }
0x21: {  	s3 =	sadd.s32 s3, s9;
	s6 =	sadd.s32 @!p0 $0x88, s6;
	s7 =	simm.s32 @p2 $0x1082  }
0x22: {  	[simem:s7], [sflag:s8] =	dma.local @!p0 [hbm:s6], $0xF7A  }
0x23: {  	s9 =	sor.u32 $0xD0000000, s2;
	s6 =	simm.s32 $0x108;
	_ =	swait.ge @!p0 [sflag:s8], $0x0  }
0x24: {  	s3 =	sadd.s32 $0x88, s3;
	s6 =	simm.s32 @!p1 $0x1082;
	[sflag:s4] =	ssyncset.s32 $0xFFFFF086  }
0x25: {  	[simem:s6], [sflag:s4] =	dma.local [hbm:s3], $0xF7A  }
0x26: {  	[smem:$0x3F9F] =	sst s1;
	(tag) =	ssettag s2;
	_ =	strace s9  }
0x27: {  	s1 =	sld [smem:$0x3FAF]  }
0x28: {  	s2 =	sld [smem:$0x3FB0]  }
0x29: {  	s4 =	sld [smem:$0x3FB2]  }
0x2a: {  	p0 =	seq.s32 s5, $0x0;
	s5 =	sld [smem:$0x3FB3]  }
0x2b: {  	s6 =	sld [smem:$0x3FB4]  }
0x2c: {  	s7 =	sld [smem:$0x3FB5]  }
0x2d: {  	s3 =	simm.s32 $0x108;
	s8 =	sld [smem:$0x3FB6]  }
0x2e: {  	s3 =	simm.s32 @!p0 $0x1082;
	s9 =	sld [smem:$0x3FB7]  }
0x2f: {  	lr =	sadd.s32 s0, s3;
	s0 =	sld [smem:$0x3FAE]  }
0x30: {  	s3 =	sld [smem:$0x3FB1]  }
0x31: {  	[smem:$0x3FBA] =	sst s10  }
0x32: {  	s10 =	sld [smem:$0x3FB8];
	_ =	sdelay $0x3  }
0x33: {  	p0 =	seq.s32 s10, $0x1;
	s10 =	sld [smem:$0x3FBA];
	_ =	sdelay $0x3  }
0x34: {  	[smem:$0x3FBA] =	sst s10  }
0x35: {  	s10 =	sld [smem:$0x3FB9];
	_ =	sdelay $0x3  }
0x36: {  	p1 =	seq.s32 s10, $0x1;
	s10 =	sld [smem:$0x3FBA];
	_ =	sdelay $0x3  }
0x37: {  	[smem:$0x3FBA] =	sst s10  }
0x38: {  	s10 =	sld [smem:$0x3FBB]  }
0x39: {  	_ = 	snop;
	(pc) =	sbr.ind lr, $3  }
0x3a: {  	_ = 	snop  }
0x3b: {  	_ = 	snop  }
0x3c: {  	p2 =	seq.s32 s10, $0x1;
	s10 =	sld [smem:$0x3FBA]  }
0x3d: {  	_ =	shalt  }
0x3e: {  	_ =	shalt  }
0x3f: {  	_ =	shalt  }
0x40: {  	_ =	shalt  }
0x41: {  	_ =	shalt  }
0x42: {  	_ =	shalt  }
0x43: {  	_ =	shalt  }
0x44: {  	_ =	shalt  }
0x45: {  	_ =	shalt  }
0x46: {  	_ =	shalt  }
0x47: {  	_ =	shalt  }
0x48: {  	_ =	shalt  }
0x49: {  	_ =	shalt  }
0x4a: {  	_ =	shalt  }
0x4b: {  	_ =	shalt  }
0x4c: {  	_ =	shalt  }
0x4d: {  	_ =	shalt  }
0x4e: {  	_ =	shalt  }
0x4f: {  	_ =	shalt  }
0x50: {  	_ =	shalt  }
0x51: {  	_ =	shalt  }
0x52: {  	_ =	shalt  }
0x53: {  	_ =	shalt  }
0x54: {  	_ =	shalt  }
0x55: {  	_ =	shalt  }
0x56: {  	_ =	shalt  }
0x57: {  	_ =	shalt  }
0x58: {  	_ =	shalt  }
0x59: {  	_ =	shalt  }
0x5a: {  	_ =	shalt  }
0x5b: {  	_ =	shalt  }
0x5c: {  	_ =	shalt  }
0x5d: {  	_ =	shalt  }
0x5e: {  	_ =	shalt  }
0x5f: {  	_ =	shalt  }
0x60: {  	_ =	shalt  }
0x61: {  	_ =	shalt  }
0x62: {  	_ =	shalt  }
0x63: {  	_ =	shalt  }
0x64: {  	_ =	shalt  }
0x65: {  	_ =	shalt  }
0x66: {  	_ =	shalt  }
0x67: {  	_ =	shalt  }
0x68: {  	_ =	shalt  }
0x69: {  	_ =	shalt  }
0x6a: {  	_ =	shalt  }
0x6b: {  	_ =	shalt  }
0x6c: {  	_ =	shalt  }
0x6d: {  	_ =	shalt  }
0x6e: {  	_ =	shalt  }
0x6f: {  	_ =	shalt  }
0x70: {  	_ =	shalt  }
0x71: {  	_ =	shalt  }
0x72: {  	_ =	shalt  }
0x73: {  	_ =	shalt  }
0x74: {  	_ =	shalt  }
0x75: {  	_ =	shalt  }
0x76: {  	_ =	shalt  }
0x77: {  	_ =	shalt  }
0x78: {  	_ =	shalt  }
0x79: {  	_ =	shalt  }
0x7a: {  	_ =	shalt  }
0x7b: {  	_ =	shalt  }
0x7c: {  	_ =	shalt  }
0x7d: {  	_ =	shalt  }
0x7e: {  	_ =	shalt  }
0x7f: {  	_ =	shalt  }
0x80: {  	_ =	shalt  }
0x81: {  	_ =	shalt  }
0x82: {  	_ =	shalt  }
0x83: {  	_ =	shalt  }
0x84: {  	_ =	shalt  }
0x85: {  	_ =	shalt  }
0x86: {  	_ =	shalt  }
0x87: {  	_ =	shalt  }
.Lfunc_end0:
.L_simem_size_0:
called_computation_lowered:
.L_overlay_start_0:
0x88: {  	s2 =	sld [smem:$0x3FD9]  }
0x89: {  	s3 =	sld [smem:$0x3FFE];
	_ =	sdelay $0x1  }
0x8a: {  	s1 =	srdreg.scid  }
0x8b: {  	s0 =	sand.u32 $0x1, s1  }
0x8c: {  	s17 =	sshll.u32 s0, $0xA;
	s2 =	sadd.s32 s3, s2  }
0x8d: {  	s2 =	sadd.s32 s2, s17  }
0x8e: {  	[smem:$0x3FC6] =	sst s2  }
0x8f: {  	_ = 	snop  }
0x90: {  	s2 =	sld [smem:$0x3FC9]  }
0x91: {  	s18 =	sld [smem:$0x3FD0];
	(tm) =	ssettm $0x1  }
0x92: {  	s4 =	sld [smem:$0x3FFB];
	_ =	sdelay $0x3  }
0x93: {  	_ =	strace s4  }
0x94: {  	s4 =	sld [smem:$0x3FFC];
	_ =	sdelay $0x3  }
0x95: {  	_ =	strace s4  }
0x96: {  	s4 =	sld [smem:$0x3FFD];
	_ =	sdelay $0x3  }
0x97: {  	_ =	strace s4  }
0x98: {  	_ =	strace $0x8FFFFFFF  }
0x99: {  	s19 =	sld [smem:$0x3FDB];
	_ =	sdelay $0x1  }
0x9a: {  	s5 =	simm.s32 $_scs_section_size  }
0x9b: {  	s6 =	simm.s32 $_size__tile_overlayer_lowered;
	s7 =	simm.s32 $_tile_overlayer_lowered  }
0x9c: {  	s22 =	simm.s32 $0x1BFF;
	s21 =	sshll.u32 s7, $0x1;
	s4 =	sadd.s32 s5, s19  }
0x9d: {  	s8 =	simm.s32 $0x0;
	s20 =	sshll.u32 s6, $0x1;
	s6 =	sadd.s32 s21, s4  }
0x9e: {  	[timem:s8], [sflag:s22] =	dma.local [hbm:s6], s20  }
0x9f: {  	_ =	swait.ge [sflag:s22], s20  }
0xa0: {  	s5 =	ssub.s32 $0x0, s20;
	[sflag:s22] =	ssyncset.done $0x0  }
0xa1: {  	[sflag:s22] =	ssyncadd.s32 s5;
	_ =	sdelay $0x1  }
0xa2: {  	s23 =	simm.s32 $0x1B8B  }
0xa3: {  	_ =	swait.ge [sflag:s23], $0x1  }
0xa4: {  	[sflag:s23] =	ssyncset.done $0x0  }
0xa5: {  	s25 =	simm.s32 $0x1B8E;
	s24 =	sld [smem:$0x3FFE];
	[sflag:s23] =	ssyncadd.s32 $0xFFFFFFFF  }
0xa6: {  	s26 =	simm.s32 $execute0_lowered;
	[smem:$0x3FD2] =	sst s25  }
0xa7: {  	s6 =	sshll.u32 s26, $0x1;
	_ =	strace $0x80000046;
	[dreg:$0x1] =	wrdreg $0xFFFFFFFF  }
0xa8: {  	s28 =	simm.s32 $_size_execute0_lowered;
	s4 =	sadd.s32 s4, s6;
	[dreg:$0x0] =	wrdreg $0x0  }
0xa9: {  	s6 =	sshll.u32 s28, $0x1;
	[dreg:$0x2] =	wrdreg s4  }
0xaa: {  	[dreg:$0x3] =	wrdreg s6  }
0xab: {  	[dreg:$0x4] =	wrdreg $0xC0  }
0xac: {  	_ =	task [dreg:s8], $0x5FFFF  }
0xad: {  	[dreg:$0x1] =	wrdreg $0xFFFFFFFF  }
0xae: {  	[dreg:$0x0] =	wrdreg $0x60  }
0xaf: {  	[dreg:$0x2] =	wrdreg s2  }
0xb0: {  	[dreg:$0x3] =	wrdreg s24  }
0xb1: {  	[dreg:$0x4] =	wrdreg s18  }
0xb2: {  	[dreg:$0x5] =	wrdreg $0x9  }
0xb3: {  	_ =	task.clear_ibuf [dreg:s8], $0x6FFFF;
	_ =	strace $0x90000046  }
0xb4: {  	s29 =	simm.s32 $0x9;
	_ =	strace $0x80000048  }
0xb5: {  	_ =	swait.ge [sflag:s29], $0x1  }
0xb6: {  	[sflag:s29] =	ssyncadd.s32 $0xFFFFFFFF  }
0xb7: {  	_ =	strace $0x90000048  }
0xb8: {  	_ =	sfence  }
0xb9: {  	s30 =	sld [smem:$0x0];
	_ =	sdelay $0x2  }
0xba: {  	s31 =	sshll.u32 s1, $0xD;
	s1 =	sshrl.u32 s1, $0x2  }
0xbb: {  	s3 =	sand.u32 $0x4000, s31;
	s1 =	sadd.s32 s1, s30  }
0xbc: {  	s0 =	sor.u32 s3, s0;
	s1 =	sshll.u32 s1, $0x11  }
0xbd: {  	s0 =	sor.u32 s1, s0  }
0xbe: {  	s0 =	sadd.s32 $0x8F2B, s0  }
0xbf: {  	[sflag:s0] =	ssyncadd.remote.s32 $0x1  }
0xc0: {  	_ =	sfence.sel $0xFFFF  }
0xc1: {  	[dreg:$0x0] =	wrdreg $0xFFFFFFFF;
	(pc) =	sbr.abs _section_cstart, $3  }
0xc2: {  	[dreg:$0x1] =	wrdreg $0xFFFFFFFF  }
0xc3: {  	_ =	task.clear_ibuf [dreg:s8], $0x2FFFF;
	_ =	strace $0x9FFFFFFF  }
0xc4: {  	(tm) =	ssettm $0x7FFFFFFF  }
0xc5: {  	_ =	shalt  }
tec
execute0_lowered:
.L_overlay_start_1:
0x0: {  	(tag) =	ssettag $0x1  }
0x1: {  	s1 =	rddreg [dreg:$0x0]  }
0x2: {  	s0 =	rddreg [dreg:$0x1];
	s2 =	srdreg.scid  }
0x3: {  	s12 =	stileid.u32;
	s3 =	rddreg [dreg:$0x2];
	s4 =	simm.s32 $0x0  }
0x4: {  	s28 =	simm.s32 $0x8400;
	s2 =	sand.u32 $0x1, s2;
	s5 =	sshll.u32 s12, $0x1  }
0x5: {  	s29 =	simm.s32 $0x4;
	s31 =	simm.s32 $0x7;
	s5 =	sor.u32 s2, s5  }
0x6: {  	s30 =	simm.s32 $0x200;
	[smem:$0x7FF] =	sst s4;
	s7 =	smul.u32 $0x2700, s5  }
0x7: {  	s21 =	sadd.s32 $0x10, s0;
	s6 =	ssub.s32 $0x2, s2;
	s9 =	smul.u32 $0x4E0, s5  }
0x8: {  	_ =	strace $0x80000047;
	s8 =	sshrl.u32 s6, $0x1;
	s20 =	smul.u32 $0x4E, s5  }
0x9: {  	s11 =	smul.u32 $0x138000, s5;
	s5 =	sshll.u32 s5, $0x7;
	s10 =	sadd.s32 s0, s9  }
0xa: {  	s6 =	ssub.s32 s6, s8;
	s9 =	sadd.s32 s9, s21;
	[dreg:$0xd] =	wrdreg s10  }
0xb: {  	s5 =	sor.u32 $0x4E000, s5;
	s25 =	sor.u32 $0x1, s20;
	[dreg:$0xe] =	wrdreg s9  }
0xc: {  	s7 =	sshrl.u32 s7, $0x3;
	s8 =	sadd.s32 $0x2, s20;
	[dreg:$0x4] =	wrdreg s25  }
0xd: {  	s16 =	sshrl.u32 s5, $0x3;
	s6 =	smax.u32 s6, $0x1;
	[dreg:$0x5] =	wrdreg s8  }
0xe: {  	s5 =	sshll.u32 s5, $0x4;
	s17 =	sadd.s32 s0, s16;
	[dreg:$0x18] =	wrdreg s6  }
0xf: {  	s7 =	sadd.s32 s0, s7;
	s5 =	sadd.s32 s3, s5;
	[dreg:$0x16] =	wrdreg s17  }
0x10: {  	s26 =	smul.u32 $0x9C, s12;
	s22 =	sadd.s32 $0x20, s7;
	[dreg:$0x17] =	wrdreg s5  }
0x11: {  	p0 =	sgt.u32 s12, $0x1;
	s23 =	sadd.s32 $0x30, s7;
	[dreg:$0xf] =	wrdreg s22  }
0x12: {  	s11 =	sshrl.u32 s11, $0x3;
	s24 =	sadd.s32 $0x40, s7;
	[dreg:$0x10] =	wrdreg s23  }
0x13: {  	s14 =	sadd.s32 s3, s11;
	s7 =	sadd.s32 $0x50, s7;
	[dreg:$0x11] =	wrdreg s24  }
0x14: {  	s13 =	smul.u32 $0x4E, s2;
	s9 =	sadd.s32 $0x25800, s14;
	[dreg:$0x12] =	wrdreg s7  }
0x15: {  	s2 =	smul.u32 $0x27000, s2;
	s15 =	sadd.s32 $0x26000, s14;
	[dreg:$0x13] =	wrdreg s9  }
0x16: {  	s6 =	simm.s32 $0x6;
	s8 =	sadd.s32 $0x26800, s14;
	[dreg:$0x14] =	wrdreg s15  }
0x17: {  	s5 =	simm.s32 $0x8;
	s7 =	sadd.s32 s13, s26;
	[dreg:$0x15] =	wrdreg s8  }
0x18: {  	s22 =	smul.u32 $0x4E000, s12;
	s26 =	simm.s32 $0x400;
	s8 =	simm.s32 $0x9  }
0x19: {  	s11 =	sshll.u32 s7, $0x4;
	s25 =	sadd.s32 $0x2, s7;
	[dreg:$0xc] =	wrdreg s26  }
0x1a: {  	s0 =	sadd.s32 s0, s11;
	s2 =	sadd.s32 s2, s22;
	[dreg:$0x1a] =	wrdreg s25  }
0x1b: {  	s19 =	sadd.s32 s21, s11;
	s18 =	sadd.s32 $0x80, s0;
	[dreg:$0x19] =	wrdreg s2  }
0x1c: {  	s26 =	simm.s32 $0x3;
	s20 =	sadd.s32 $0x60, s19;
	[dreg:$0x6] =	wrdreg s18  }
0x1d: {  	s7 =	simm.s32 $0xC400;
	s21 =	sadd.s32 $0x60, s0;
	[dreg:$0x7] =	wrdreg s20  }
0x1e: {  	s25 =	simm.s32 $0x4400;
	s23 =	sadd.s32 $0x40, s19;
	[dreg:$0x8] =	wrdreg s21  }
0x1f: {  	s22 =	simm.s32 $0x14400;
	s0 =	sadd.s32 $0x40, s0;
	[dreg:$0x9] =	wrdreg s23  }
0x20: {  	s11 =	simm.s32 $0x0;
	s24 =	sadd.s32 $0x20, s19;
	[dreg:$0xa] =	wrdreg s0  }
0x21: {  	s19 =	simm.s32 $0x80;
	s2 =	simm.s32 $0x5;
	[dreg:$0xb] =	wrdreg s24  }
0x22: {  	s24 =	simm.s32 $0x2;
	s0 =	simm.s32 $0x10400;
	s23 =	simm.s32 $0x180  }
.LBB2_1:
0x23: {  	[dreg:$0x1b] =	wrdreg s11  }
0x24: {  	s9 =	rddreg [dreg:$0xd]  }
0x25: {  	[tilespmem:s4], [sflag:$0x1] =	stream.linear.gather [hbm4b:s9+s4], $0x80, $0x38;
	[tilespmem:$0x18400] =	vst v63  }
0x26: {  	s10 =	rddreg [dreg:$0xe]  }
0x27: {  	[tilespmem:s19], [sflag:$0x2] =	stream.linear.gather [hbm4b:s10+s4], $0x80, $0x38;
	[tilespmem:$0x18400] =	vst v63  }
0x28: {  	s11 =	rddreg [dreg:$0xf];
	s15 =	simm.s32 $0x100  }
0x29: {  	[tilespmem:s15], [sflag:$0x3] =	stream.linear.gather [hbm4b:s11+s4], $0x80, $0x38;
	[tilespmem:$0x18400] =	vst v63  }
0x2a: {  	s12 =	rddreg [dreg:$0x10];
	s16 =	simm.s32 $0x180  }
0x2b: {  	[tilespmem:s16], [sflag:$0x4] =	stream.linear.gather [hbm4b:s12+s4], $0x80, $0x38;
	[tilespmem:$0x18400] =	vst v63  }
0x2c: {  	s13 =	rddreg [dreg:$0x11];
	s17 =	simm.s32 $0x200;
	p1 =	por $0x1, $0x1  }
0x2d: {  	[tilespmem:s17], [sflag:$0x5] =	stream.linear.gather [hbm4b:s13+s4], $0x80, $0x38;
	[tilespmem:$0x18400] =	vst v63  }
0x2e: {  	s14 =	rddreg [dreg:$0x12];
	s18 =	simm.s32 $0x280;
	s9 =	simm.s32 @p1 $0x1  }
0x2f: {  	[tilespmem:s18], [sflag:$0x6] =	stream.linear.gather [hbm4b:s14+s4], $0x80, $0x38;
	[tilespmem:$0x18400] =	vst v63  }
0x30: {  	_ =	swait.ge @p1 [sflag:s9], $0x80  }
0x31: {  	s11 =	simm.s32 @p1 $0x400;
	s12 =	simm.s32 @!p1 $0xD;
	[sflag:s9] =	ssyncset.done @p1 $0x0  }
0x32: {  	s13 =	simm.s32 @p1 $0x0;
	[sflag:s9] =	ssyncadd.s32 @p1 $0xFFFFFF80;
	s9 =	simm.s32 @p1 $0x80  }
0x33: {  	[tilespmem:s11], [sflag:$0x7] =	stream.indirect.gather @p1 [hbm4b:s1+s9], $0x80, s13, s9, $0xb8;
	[tilespmem:$0x18400] =	vst v63  }
0x34: {  	_ =	swait.ge @!p1 [sflag:s12], $0x4000  }
0x35: {  	[sflag:s12] =	ssyncset.done @!p1 $0x0  }
0x36: {  	s9 =	simm.s32 @!p1 $0x1;
	[sflag:s12] =	ssyncadd.s32 @!p1 $0xFFFFC000  }
0x37: {  	_ =	swait.ge @!p1 [sflag:s9], $0x80  }
0x38: {  	s11 =	simm.s32 @!p1 $0x400;
	s13 =	simm.s32 @!p1 $0x0;
	[sflag:s9] =	ssyncset.done @!p1 $0x0  }
0x39: {  	s12 =	simm.s32 @!p1 $0xA;
	[sflag:s9] =	ssyncadd.s32 @!p1 $0xFFFFFF80;
	s9 =	simm.s32 @!p1 $0x80  }
0x3a: {  	[tilespmem:s11], [sflag:$0x7] =	stream.indirect.gather @!p1 [hbm4b:s1+s9], $0x80, s13, s9, $0xb8;
	[tilespmem:$0x18400] =	vst v63  }
0x3b: {  	_ =	swait.ge @!p1 [sflag:s12], $0x4000  }
0x3c: {  	s10 =	rddreg [dreg:$0x19];
	[sflag:s12] =	ssyncset.done @!p1 $0x0  }
0x3d: {  	s9 =	rddreg [dreg:$0xb];
	s11 =	sadd.s32 @!p1 $0x1FFFE800, s10;
	[sflag:s12] =	ssyncadd.s32 @!p1 $0xFFFFC000  }
0x3e: {  	s9 =	sadd.s32 @!p1 $0x0, s9;
	s12 =	simm.s32 @!p1 $0x180;
	s11 =	sand.u32 @!p1 $0x1FFFF800, s11  }
0x3f: {  	[tilespmem:s12], [sflag:$0x4] =	stream.linear.gather @!p1 [hbm4b:s9+s13], $0x80, $0x38;
	[tilespmem:$0x18400] =	vst v63  }
0x40: {  	s12 =	simm.s32 @!p1 $0xE;
	s9 =	sadd.s32 @!p1 s3, s11;
	s11 =	simm.s32 @!p1 $0xC400  }
0x41: {  	[hbm4b:s9+s13] =	stream.linear.scatter @!p1 [tilespmem:s11], [sflag:$0x10], $0x4000, $0x38;
	[tilespmem:$0x18400] =	vst v63  }
0x42: {  	_ =	swait.ge @!p1 [sflag:s12], $0x4000  }
0x43: {  	[sflag:s12] =	ssyncset.done @!p1 $0x0  }
0x44: {  	[sflag:s12] =	ssyncadd.s32 @!p1 $0xFFFFC000  }
0x45: {  	s9 =	rddreg [dreg:$0x4];
	_ =	swait.ge [sflag:s24], $0x80  }
0x46: {  	[sflag:s24] =	ssyncset.done $0x0  }
0x47: {  	s11 =	simm.s32 @!p1 $0xB;
	[sflag:s24] =	ssyncadd.s32 $0xFFFFFF80  }
0x48: {  	[tilespmem:s25], [sflag:$0x8] =	stream.indirect.gather [hbm4b:s1+s19], $0x80, s19, s19, $0xb8;
	[tilespmem:$0x18400] =	vst v63  }
0x49: {  	s14 =	sadd.s32 @!p1 $0x1FFFF000, s10;
	_ =	swait.ge @!p1 [sflag:s11], $0x4000  }
0x4a: {  	s14 =	sand.u32 @!p1 $0x1FFFF000, s14;
	s12 =	rddreg [dreg:$0xa];
	[sflag:s11] =	ssyncset.done @!p1 $0x0  }
0x4b: {  	[sflag:s11] =	ssyncadd.s32 @!p1 $0xFFFFC000;
	s11 =	sadd.s32 @!p1 $0x0, s12;
	s12 =	simm.s32 @!p1 $0x200  }
0x4c: {  	[tilespmem:s12], [sflag:$0x5] =	stream.linear.gather @!p1 [hbm4b:s11+s13], $0x80, $0x38;
	[tilespmem:$0x18400] =	vst v63  }
0x4d: {  	s11 =	sadd.s32 @!p1 s3, s14;
	s12 =	simm.s32 @!p1 $0x10400;
	s14 =	simm.s32 @!p1 $0xF  }
0x4e: {  	[hbm4b:s11+s13] =	stream.linear.scatter @!p1 [tilespmem:s12], [sflag:$0x11], $0x4000, $0x38;
	[tilespmem:$0x18400] =	vst v63  }
0x4f: {  	_ =	swait.ge @!p1 [sflag:s14], $0x4000  }
0x50: {  	[sflag:s14] =	ssyncset.done @!p1 $0x0  }
0x51: {  	[sflag:s14] =	ssyncadd.s32 @!p1 $0xFFFFC000  }
0x52: {  	s11 =	rddreg [dreg:$0x5];
	_ =	swait.ge [sflag:s26], $0x80  }
0x53: {  	[sflag:s26] =	ssyncset.done $0x0  }
0x54: {  	s12 =	simm.s32 @!p1 $0xC;
	[sflag:s26] =	ssyncadd.s32 $0xFFFFFF80  }
0x55: {  	[tilespmem:s28], [sflag:$0x9] =	stream.indirect.gather [hbm4b:s1+s19], $0x80, s15, s19, $0xb8;
	[tilespmem:$0x18400] =	vst v63  }
0x56: {  	_ =	swait.ge @!p1 [sflag:s12], $0x4000  }
0x57: {  	s14 =	rddreg [dreg:$0x9];
	[sflag:s12] =	ssyncset.done @!p1 $0x0  }
0x58: {  	[sflag:s12] =	ssyncadd.s32 @!p1 $0xFFFFC000;
	s12 =	sadd.s32 @!p1 $0x0, s14;
	s14 =	simm.s32 @!p1 $0x280  }
0x59: {  	[tilespmem:s14], [sflag:$0x6] =	stream.linear.gather @!p1 [hbm4b:s12+s13], $0x80, $0x38;
	[tilespmem:$0x18400] =	vst v63  }
0x5a: {  	s12 =	sadd.s32 @!p1 $0x1FFFF800, s10  }
0x5b: {  	s12 =	sand.u32 @!p1 $0x1FFFF800, s12  }
0x5c: {  	s14 =	simm.s32 @!p1 $0x14400;
	s12 =	sadd.s32 @!p1 s3, s12  }
0x5d: {  	[hbm4b:s12+s13] =	stream.linear.scatter @!p1 [tilespmem:s14], [sflag:$0x12], $0x4000, $0x38;
	[tilespmem:$0x18400] =	vst v63  }
0x5e: {  	s12 =	simm.s32 @!p1 $0x10  }
0x5f: {  	_ =	swait.ge @!p1 [sflag:s12], $0x4000  }
0x60: {  	[sflag:s12] =	ssyncset.done @!p1 $0x0  }
0x61: {  	[sflag:s12] =	ssyncadd.s32 @!p1 $0xFFFFC000  }
0x62: {  	_ =	swait.ge [sflag:s29], $0x80  }
0x63: {  	[sflag:s29] =	ssyncset.done $0x0  }
0x64: {  	[sflag:s29] =	ssyncadd.s32 $0xFFFFFF80  }
0x65: {  	[tilespmem:s7], [sflag:$0xA] =	stream.indirect.gather [hbm4b:s1+s19], $0x80, s16, s19, $0xb8;
	[tilespmem:$0x18400] =	vst v63  }
0x66: {  	_ =	swait.ge [sflag:s31], $0x4000  }
0x67: {  	p2 =	por $0x0, $0x0;
	s12 =	rddreg [dreg:$0x8];
	[sflag:s31] =	ssyncset.done $0x0  }
0x68: {  	s14 =	simm.s32 @!p2 $0x0;
	[sflag:s31] =	ssyncadd.s32 $0xFFFFC000;
	s12 =	sadd.s32 @!p2 $0x0, s12  }
0x69: {  	[tilespmem:s14], [sflag:$0x1] =	stream.linear.gather @!p2 [hbm4b:s12+s14], $0x80, $0x38;
	[tilespmem:$0x18400] =	vst v63  }
0x6a: {  	s20 =	sadd.s32 s10, s3;
	s16 =	rddreg [dreg:$0xc];
	s12 =	simm.s32 @!p1 $0x11  }
0x6b: {  	[hbm4b:s20+s4] =	stream.linear.scatter [tilespmem:s16], [sflag:$0xD], $0x4000, $0x38;
	[tilespmem:$0x18400] =	vst v63  }
0x6c: {  	_ =	swait.ge @!p1 [sflag:s12], $0x4000  }
0x6d: {  	[sflag:s12] =	ssyncset.done @!p1 $0x0  }
0x6e: {  	[sflag:s12] =	ssyncadd.s32 @!p1 $0xFFFFC000  }
0x6f: {  	_ =	swait.ge [sflag:s2], $0x80  }
0x70: {  	[sflag:s2] =	ssyncset.done $0x0;
	s15 =	rddreg [dreg:$0x1a]  }
0x71: {  	[sflag:s2] =	ssyncadd.s32 $0xFFFFFF80;
	s12 =	sadd.s32 @!p1 $0xFFFFFFFF, s15  }
0x72: {  	[tilespmem:s0], [sflag:$0xB] =	stream.indirect.gather [hbm4b:s1+s19], $0x80, s17, s19, $0xb8;
	[tilespmem:$0x18400] =	vst v63  }
0x73: {  	s13 =	simm.s32 @!p2 $0x80;
	s12 =	smov.u32 @p1 s9;
	_ =	swait.ge [sflag:s5], $0x4000  }
0x74: {  	s12 =	sshll.u32 s12, $0xB;
	s9 =	rddreg [dreg:$0x7];
	[sflag:s5] =	ssyncset.done $0x0  }
0x75: {  	s12 =	sand.u32 $0x1FFFF800, s12;
	[sflag:s5] =	ssyncadd.s32 $0xFFFFC000;
	s9 =	sadd.s32 @!p2 $0x0, s9  }
0x76: {  	[tilespmem:s13], [sflag:$0x2] =	stream.linear.gather @!p2 [hbm4b:s9+s14], $0x80, $0x38;
	[tilespmem:$0x18400] =	vst v63  }
0x77: {  	s21 =	sadd.s32 s3, s12;
	s12 =	simm.s32 @!p1 $0x12  }
0x78: {  	[hbm4b:s21+s4] =	stream.linear.scatter [tilespmem:s25], [sflag:$0xE], $0x4000, $0x38;
	[tilespmem:$0x18400] =	vst v63  }
0x79: {  	_ =	swait.ge @!p1 [sflag:s12], $0x4000  }
0x7a: {  	[sflag:s12] =	ssyncset.done @!p1 $0x0  }
0x7b: {  	[sflag:s12] =	ssyncadd.s32 @!p1 $0xFFFFC000  }
0x7c: {  	s9 =	smov.u32 s15;
	_ =	swait.ge [sflag:s6], $0x80  }
0x7d: {  	s9 =	smov.u32 @p1 s11;
	[sflag:s6] =	ssyncset.done $0x0  }
0x7e: {  	s13 =	simm.s32 @!p2 $0x100;
	s9 =	sshll.u32 s9, $0xB;
	[sflag:s6] =	ssyncadd.s32 $0xFFFFFF80  }
0x7f: {  	[tilespmem:s22], [sflag:$0xC] =	stream.indirect.gather [hbm4b:s1+s19], $0x80, s18, s19, $0xb8;
	[tilespmem:$0x18400] =	vst v63  }
0x80: {  	s11 =	simm.s32 $0x60;
	s9 =	sand.u32 $0x1FFFF000, s9;
	_ =	swait.ge [sflag:s8], $0x4000  }
0x81: {  	s9 =	sadd.s32 s3, s9;
	s12 =	rddreg [dreg:$0x6];
	[sflag:s8] =	ssyncset.done $0x0  }
0x82: {  	p1 =	por $0x0, $0x0;
	[sflag:s8] =	ssyncadd.s32 $0xFFFFC000;
	s12 =	sadd.s32 @!p2 $0x0, s12  }
0x83: {  	[tilespmem:s13], [sflag:$0x3] =	stream.linear.gather @!p2 [hbm4b:s12+s14], $0x80, $0x38;
	[tilespmem:$0x18400] =	vst v63  }
0x84: {  	s14 =	simm.s32 $0xC0;
	s13 =	sadd.s32 $0x3000, s10;
	s12 =	sadd.s32 $0x6, s15  }
.LBB2_2:
0x85: {  	s16 =	simm.s32 @p1 $0x1;
	s17 =	sadd.s32 @!p1 $0x1FFFE800, s13;
	s18 =	sadd.s32 @!p1 $0x1FFFF000, s13  }
0x86: {  	[hbm4b:s9+s4] =	stream.linear.scatter [tilespmem:s28], [sflag:$0xF], $0x4000, $0x38;
	[tilespmem:$0x18400] =	vst v63  }
0x87: {  	s10 =	simm.s32 @!p1 $0xD;
	s20 =	simm.s32 @p1 $0x0;
	_ =	swait.ge @p1 [sflag:s16], $0x80  }
0x88: {  	s9 =	sand.u32 @!p1 $0x1FFFF800, s17;
	s17 =	sand.u32 @!p1 $0x1FFFF000, s18;
	[sflag:s16] =	ssyncset.done @p1 $0x0  }
0x89: {  	s18 =	simm.s32 @p1 $0x400;
	[sflag:s16] =	ssyncadd.s32 @p1 $0xFFFFFF80;
	s16 =	simm.s32 @p1 $0x80  }
0x8a: {  	[tilespmem:s18], [sflag:$0x7] =	stream.indirect.gather @p1 [hbm4b:s1+s16], $0x80, s20, s16, $0xb8;
	[tilespmem:$0x18400] =	vst v63  }
0x8b: {  	_ =	swait.ge @!p1 [sflag:s10], $0x4000  }
0x8c: {  	s16 =	sadd.s32 @!p1 s3, s9;
	s9 =	sadd.s32 @!p1 s3, s17;
	[sflag:s10] =	ssyncset.done @!p1 $0x0  }
0x8d: {  	s17 =	sadd.s32 @!p1 $0x1FFFF800, s13;
	[sflag:s10] =	ssyncadd.s32 @!p1 $0xFFFFC000;
	s10 =	simm.s32 @!p1 $0x1  }
0x8e: {  	s21 =	simm.s32 @!p1 $0xA;
	s17 =	sand.u32 @!p1 $0x1FFFF800, s17;
	_ =	swait.ge @!p1 [sflag:s10], $0x80  }
0x8f: {  	s20 =	simm.s32 @!p1 $0x400;
	s18 =	sadd.s32 @!p1 s3, s17;
	[sflag:s10] =	ssyncset.done @!p1 $0x0  }
0x90: {  	s17 =	simm.s32 @!p1 $0x0;
	[sflag:s10] =	ssyncadd.s32 @!p1 $0xFFFFFF80;
	s10 =	simm.s32 @!p1 $0x80  }
0x91: {  	[tilespmem:s20], [sflag:$0x7] =	stream.indirect.gather @!p1 [hbm4b:s1+s10], $0x80, s17, s10, $0xb8;
	[tilespmem:$0x18400] =	vst v63  }
0x92: {  	_ =	swait.ge @!p1 [sflag:s21], $0x4000  }
0x93: {  	s15 =	smov.u32 s11;
	s10 =	rddreg [dreg:$0xb];
	[sflag:s21] =	ssyncset.done @!p1 $0x0  }
0x94: {  	s20 =	simm.s32 @!p1 $0x180;
	[sflag:s21] =	ssyncadd.s32 @!p1 $0xFFFFC000;
	s10 =	sadd.s32 @!p1 s15, s10  }
0x95: {  	[tilespmem:s20], [sflag:$0x4] =	stream.linear.gather @!p1 [hbm4b:s10+s17], $0x80, $0x38;
	[tilespmem:$0x18400] =	vst v63  }
0x96: {  	s10 =	simm.s32 @!p1 $0xC400;
	s20 =	simm.s32 @!p1 $0xE  }
0x97: {  	[hbm4b:s16+s17] =	stream.linear.scatter @!p1 [tilespmem:s10], [sflag:$0x10], $0x4000, $0x38;
	[tilespmem:$0x18400] =	vst v63  }
0x98: {  	_ =	swait.ge @!p1 [sflag:s20], $0x4000  }
0x99: {  	[sflag:s20] =	ssyncset.done @!p1 $0x0  }
0x9a: {  	[sflag:s20] =	ssyncadd.s32 @!p1 $0xFFFFC000  }
0x9b: {  	s10 =	rddreg [dreg:$0x4];
	_ =	swait.ge [sflag:s24], $0x80  }
0x9c: {  	s16 =	sadd.s32 @!p1 $0xFFFFFFFF, s12;
	[sflag:s24] =	ssyncset.done $0x0  }
0x9d: {  	s16 =	smov.u32 @p1 s10;
	s10 =	simm.s32 @!p1 $0xB;
	[sflag:s24] =	ssyncadd.s32 $0xFFFFFF80  }
0x9e: {  	[tilespmem:s25], [sflag:$0x8] =	stream.indirect.gather [hbm4b:s1+s19], $0x80, s19, s19, $0xb8;
	[tilespmem:$0x18400] =	vst v63  }
0x9f: {  	_ =	swait.ge @!p1 [sflag:s10], $0x4000  }
0xa0: {  	s20 =	rddreg [dreg:$0xa];
	[sflag:s10] =	ssyncset.done @!p1 $0x0  }
0xa1: {  	[sflag:s10] =	ssyncadd.s32 @!p1 $0xFFFFC000;
	s10 =	sadd.s32 @!p1 s15, s20;
	s20 =	simm.s32 @!p1 $0x200  }
0xa2: {  	[tilespmem:s20], [sflag:$0x5] =	stream.linear.gather @!p1 [hbm4b:s10+s17], $0x80, $0x38;
	[tilespmem:$0x18400] =	vst v63  }
0xa3: {  	s10 =	simm.s32 @!p1 $0x10400;
	s20 =	simm.s32 @!p1 $0xF  }
0xa4: {  	[hbm4b:s9+s17] =	stream.linear.scatter @!p1 [tilespmem:s10], [sflag:$0x11], $0x4000, $0x38;
	[tilespmem:$0x18400] =	vst v63  }
0xa5: {  	_ =	swait.ge @!p1 [sflag:s20], $0x4000  }
0xa6: {  	[sflag:s20] =	ssyncset.done @!p1 $0x0  }
0xa7: {  	[sflag:s20] =	ssyncadd.s32 @!p1 $0xFFFFC000  }
0xa8: {  	s9 =	rddreg [dreg:$0x5];
	_ =	swait.ge [sflag:s26], $0x80  }
0xa9: {  	s21 =	simm.s32 $0x100;
	[sflag:s26] =	ssyncset.done $0x0  }
0xaa: {  	s10 =	smov.u32 s12;
	s20 =	simm.s32 @!p1 $0xC;
	[sflag:s26] =	ssyncadd.s32 $0xFFFFFF80  }
0xab: {  	[tilespmem:s28], [sflag:$0x9] =	stream.indirect.gather [hbm4b:s1+s19], $0x80, s21, s19, $0xb8;
	[tilespmem:$0x18400] =	vst v63  }
0xac: {  	s10 =	smov.u32 @p1 s9;
	_ =	swait.ge @!p1 [sflag:s20], $0x4000  }
0xad: {  	s21 =	sshll.u32 s10, $0xB;
	s10 =	rddreg [dreg:$0x9];
	[sflag:s20] =	ssyncset.done @!p1 $0x0  }
0xae: {  	[sflag:s20] =	ssyncadd.s32 @!p1 $0xFFFFC000;
	s10 =	sadd.s32 @!p1 s15, s10;
	s20 =	simm.s32 @!p1 $0x280  }
0xaf: {  	[tilespmem:s20], [sflag:$0x6] =	stream.linear.gather @!p1 [hbm4b:s10+s17], $0x80, $0x38;
	[tilespmem:$0x18400] =	vst v63  }
0xb0: {  	s10 =	simm.s32 @!p1 $0x14400;
	s20 =	simm.s32 @!p1 $0x10  }
0xb1: {  	[hbm4b:s18+s17] =	stream.linear.scatter @!p1 [tilespmem:s10], [sflag:$0x12], $0x4000, $0x38;
	[tilespmem:$0x18400] =	vst v63  }
0xb2: {  	_ =	swait.ge @!p1 [sflag:s20], $0x4000  }
0xb3: {  	[sflag:s20] =	ssyncset.done @!p1 $0x0  }
0xb4: {  	[sflag:s20] =	ssyncadd.s32 @!p1 $0xFFFFC000  }
0xb5: {  	_ =	swait.ge [sflag:s29], $0x80  }
0xb6: {  	[sflag:s29] =	ssyncset.done $0x0  }
0xb7: {  	[sflag:s29] =	ssyncadd.s32 $0xFFFFFF80  }
0xb8: {  	[tilespmem:s7], [sflag:$0xA] =	stream.indirect.gather [hbm4b:s1+s19], $0x80, s23, s19, $0xb8;
	[tilespmem:$0x18400] =	vst v63  }
0xb9: {  	p3 =	seq.s32 s15, $0x480;
	_ =	swait.ge [sflag:s31], $0x4000  }
0xba: {  	s9 =	sand.u32 $0x1FFFF000, s21;
	s10 =	rddreg [dreg:$0x8];
	[sflag:s31] =	ssyncset.done $0x0  }
0xbb: {  	s17 =	simm.s32 @!p3 $0x0;
	[sflag:s31] =	ssyncadd.s32 $0xFFFFC000;
	s10 =	sadd.s32 @!p3 s15, s10  }
0xbc: {  	[tilespmem:s17], [sflag:$0x1] =	stream.linear.gather @!p3 [hbm4b:s10+s17], $0x80, $0x38;
	[tilespmem:$0x18400] =	vst v63  }
0xbd: {  	s21 =	sadd.s32 s13, s3;
	s20 =	simm.s32 @!p1 $0x11;
	s18 =	rddreg [dreg:$0xc]  }
0xbe: {  	[hbm4b:s21+s4] =	stream.linear.scatter [tilespmem:s18], [sflag:$0xD], $0x4000, $0x38;
	[tilespmem:$0x18400] =	vst v63  }
0xbf: {  	_ =	swait.ge @!p1 [sflag:s20], $0x4000  }
0xc0: {  	[sflag:s20] =	ssyncset.done @!p1 $0x0  }
0xc1: {  	[sflag:s20] =	ssyncadd.s32 @!p1 $0xFFFFC000  }
0xc2: {  	_ =	swait.ge [sflag:s2], $0x80  }
0xc3: {  	[sflag:s2] =	ssyncset.done $0x0  }
0xc4: {  	[sflag:s2] =	ssyncadd.s32 $0xFFFFFF80  }
0xc5: {  	[tilespmem:s0], [sflag:$0xB] =	stream.indirect.gather [hbm4b:s1+s19], $0x80, s30, s19, $0xb8;
	[tilespmem:$0x18400] =	vst v63  }
0xc6: {  	s16 =	sshll.u32 s16, $0xB;
	_ =	swait.ge [sflag:s5], $0x4000  }
0xc7: {  	s16 =	sand.u32 $0x1FFFF800, s16;
	s10 =	rddreg [dreg:$0x7];
	[sflag:s5] =	ssyncset.done $0x0  }
0xc8: {  	s18 =	simm.s32 @!p3 $0x80;
	[sflag:s5] =	ssyncadd.s32 $0xFFFFC000;
	s10 =	sadd.s32 @!p3 s15, s10  }
0xc9: {  	[tilespmem:s18], [sflag:$0x2] =	stream.linear.gather @!p3 [hbm4b:s10+s17], $0x80, $0x38;
	[tilespmem:$0x18400] =	vst v63  }
0xca: {  	s20 =	sadd.s32 s3, s16;
	s16 =	simm.s32 @!p1 $0x12  }
0xcb: {  	[hbm4b:s20+s4] =	stream.linear.scatter [tilespmem:s25], [sflag:$0xE], $0x4000, $0x38;
	[tilespmem:$0x18400] =	vst v63  }
0xcc: {  	_ =	swait.ge @!p1 [sflag:s16], $0x4000  }
0xcd: {  	[sflag:s16] =	ssyncset.done @!p1 $0x0  }
0xce: {  	[sflag:s16] =	ssyncadd.s32 @!p1 $0xFFFFC000  }
0xcf: {  	_ =	swait.ge [sflag:s6], $0x80  }
0xd0: {  	s11 =	smov.u32 s14;
	s14 =	sadd.s32 $0x60, s14;
	[sflag:s6] =	ssyncset.done $0x0  }
0xd1: {  	p2 =	sne.s32 s14, $0x4E0;
	s21 =	simm.s32 $0x280;
	[sflag:s6] =	ssyncadd.s32 $0xFFFFFF80  }
0xd2: {  	[tilespmem:s22], [sflag:$0xC] =	stream.indirect.gather [hbm4b:s1+s19], $0x80, s21, s19, $0xb8;
	[tilespmem:$0x18400] =	vst v63  }
.Ltmp0:
0xd3: {  	s12 =	sadd.s32 $0x6, s12;
	(pc) =	sbr.rel @p2 .LBB2_2-.Ltmp0, $4  }
0xd4: {  	s13 =	sadd.s32 $0x3000, s13;
	s9 =	sadd.s32 s3, s9;
	_ =	swait.ge [sflag:s8], $0x4000  }
0xd5: {  	p1 =	seq.s32 s11, $0x0;
	s10 =	rddreg [dreg:$0x6];
	[sflag:s8] =	ssyncset.done $0x0  }
0xd6: {  	s16 =	simm.s32 @!p3 $0x100;
	[sflag:s8] =	ssyncadd.s32 $0xFFFFC000;
	s10 =	sadd.s32 @!p3 s15, s10  }
0xd7: {  	[tilespmem:s16], [sflag:$0x3] =	stream.linear.gather @!p3 [hbm4b:s10+s17], $0x80, $0x38;
	[tilespmem:$0x18400] =	vst v63  }
0xd8: {  	s10 =	simm.s32 @p1 $0x1  }
0xd9: {  	[hbm4b:s9+s4] =	stream.linear.scatter [tilespmem:s28], [sflag:$0xF], $0x4000, $0x38;
	[tilespmem:$0x18400] =	vst v63  }
0xda: {  	_ =	swait.ge @p1 [sflag:s10], $0x80  }
0xdb: {  	s9 =	simm.s32 @p1 $0x400;
	s14 =	simm.s32 @!p1 $0xD;
	[sflag:s10] =	ssyncset.done @p1 $0x0  }
0xdc: {  	s15 =	simm.s32 @p1 $0x0;
	[sflag:s10] =	ssyncadd.s32 @p1 $0xFFFFFF80;
	s10 =	simm.s32 @p1 $0x80  }
0xdd: {  	[tilespmem:s9], [sflag:$0x7] =	stream.indirect.gather @p1 [hbm4b:s1+s10], $0x80, s15, s10, $0xb8;
	[tilespmem:$0x18400] =	vst v63  }
0xde: {  	_ =	swait.ge @!p1 [sflag:s14], $0x4000  }
0xdf: {  	[sflag:s14] =	ssyncset.done @!p1 $0x0  }
0xe0: {  	s9 =	simm.s32 @!p1 $0x1;
	[sflag:s14] =	ssyncadd.s32 @!p1 $0xFFFFC000  }
0xe1: {  	_ =	swait.ge @!p1 [sflag:s9], $0x80  }
0xe2: {  	s10 =	simm.s32 @!p1 $0x400;
	s15 =	simm.s32 @!p1 $0x0;
	[sflag:s9] =	ssyncset.done @!p1 $0x0  }
0xe3: {  	s14 =	simm.s32 @!p1 $0xA;
	[sflag:s9] =	ssyncadd.s32 @!p1 $0xFFFFFF80;
	s9 =	simm.s32 @!p1 $0x80  }
0xe4: {  	[tilespmem:s10], [sflag:$0x7] =	stream.indirect.gather @!p1 [hbm4b:s1+s9], $0x80, s15, s9, $0xb8;
	[tilespmem:$0x18400] =	vst v63  }
0xe5: {  	s10 =	sadd.s32 @!p1 $0x1FFFE800, s13;
	_ =	swait.ge @!p1 [sflag:s14], $0x4000  }
0xe6: {  	s10 =	sand.u32 @!p1 $0x1FFFF800, s10;
	s9 =	rddreg [dreg:$0xb];
	[sflag:s14] =	ssyncset.done @!p1 $0x0  }
0xe7: {  	[sflag:s14] =	ssyncadd.s32 @!p1 $0xFFFFC000;
	s9 =	sadd.s32 @!p1 s11, s9;
	s14 =	simm.s32 @!p1 $0x180  }
0xe8: {  	[tilespmem:s14], [sflag:$0x4] =	stream.linear.gather @!p1 [hbm4b:s9+s15], $0x80, $0x38;
	[tilespmem:$0x18400] =	vst v63  }
0xe9: {  	s9 =	sadd.s32 @!p1 s3, s10;
	s10 =	simm.s32 @!p1 $0xC400;
	s14 =	simm.s32 @!p1 $0xE  }
0xea: {  	[hbm4b:s9+s15] =	stream.linear.scatter @!p1 [tilespmem:s10], [sflag:$0x10], $0x4000, $0x38;
	[tilespmem:$0x18400] =	vst v63  }
0xeb: {  	_ =	swait.ge @!p1 [sflag:s14], $0x4000  }
0xec: {  	[sflag:s14] =	ssyncset.done @!p1 $0x0  }
0xed: {  	[sflag:s14] =	ssyncadd.s32 @!p1 $0xFFFFC000  }
0xee: {  	s9 =	rddreg [dreg:$0x4];
	_ =	swait.ge [sflag:s24], $0x80  }
0xef: {  	[sflag:s24] =	ssyncset.done $0x0  }
0xf0: {  	s10 =	simm.s32 @!p1 $0xB;
	[sflag:s24] =	ssyncadd.s32 $0xFFFFFF80  }
0xf1: {  	[tilespmem:s25], [sflag:$0x8] =	stream.indirect.gather [hbm4b:s1+s19], $0x80, s19, s19, $0xb8;
	[tilespmem:$0x18400] =	vst v63  }
0xf2: {  	s16 =	sadd.s32 @!p1 $0x1FFFF000, s13;
	_ =	swait.ge @!p1 [sflag:s10], $0x4000  }
0xf3: {  	s16 =	sand.u32 @!p1 $0x1FFFF000, s16;
	s14 =	rddreg [dreg:$0xa];
	[sflag:s10] =	ssyncset.done @!p1 $0x0  }
0xf4: {  	[sflag:s10] =	ssyncadd.s32 @!p1 $0xFFFFC000;
	s10 =	sadd.s32 @!p1 s11, s14;
	s14 =	simm.s32 @!p1 $0x200  }
0xf5: {  	[tilespmem:s14], [sflag:$0x5] =	stream.linear.gather @!p1 [hbm4b:s10+s15], $0x80, $0x38;
	[tilespmem:$0x18400] =	vst v63  }
0xf6: {  	s10 =	sadd.s32 @!p1 s3, s16;
	s14 =	simm.s32 @!p1 $0x10400;
	s16 =	simm.s32 @!p1 $0xF  }
0xf7: {  	[hbm4b:s10+s15] =	stream.linear.scatter @!p1 [tilespmem:s14], [sflag:$0x11], $0x4000, $0x38;
	[tilespmem:$0x18400] =	vst v63  }
0xf8: {  	_ =	swait.ge @!p1 [sflag:s16], $0x4000  }
0xf9: {  	[sflag:s16] =	ssyncset.done @!p1 $0x0  }
0xfa: {  	[sflag:s16] =	ssyncadd.s32 @!p1 $0xFFFFC000  }
0xfb: {  	s14 =	rddreg [dreg:$0x5];
	_ =	swait.ge [sflag:s26], $0x80  }
0xfc: {  	[sflag:s26] =	ssyncset.done $0x0  }
0xfd: {  	s0 =	simm.s32 $0x100;
	s10 =	simm.s32 @!p1 $0xC;
	[sflag:s26] =	ssyncadd.s32 $0xFFFFFF80  }
0xfe: {  	[tilespmem:s28], [sflag:$0x9] =	stream.indirect.gather [hbm4b:s1+s19], $0x80, s0, s19, $0xb8;
	[tilespmem:$0x18400] =	vst v63  }
0xff: {  	_ =	swait.ge @!p1 [sflag:s10], $0x4000  }
0x100: {  	s16 =	rddreg [dreg:$0x9];
	[sflag:s10] =	ssyncset.done @!p1 $0x0  }
0x101: {  	[sflag:s10] =	ssyncadd.s32 @!p1 $0xFFFFC000;
	s10 =	sadd.s32 @!p1 s11, s16;
	s16 =	simm.s32 @!p1 $0x280  }
0x102: {  	[tilespmem:s16], [sflag:$0x6] =	stream.linear.gather @!p1 [hbm4b:s10+s15], $0x80, $0x38;
	[tilespmem:$0x18400] =	vst v63  }
0x103: {  	s10 =	sadd.s32 @!p1 $0x1FFFF800, s13  }
0x104: {  	s10 =	sand.u32 @!p1 $0x1FFFF800, s10  }
0x105: {  	s16 =	simm.s32 @!p1 $0x14400;
	s10 =	sadd.s32 @!p1 s3, s10  }
0x106: {  	[hbm4b:s10+s15] =	stream.linear.scatter @!p1 [tilespmem:s16], [sflag:$0x12], $0x4000, $0x38;
	[tilespmem:$0x18400] =	vst v63  }
0x107: {  	s10 =	simm.s32 @!p1 $0x10  }
0x108: {  	_ =	swait.ge @!p1 [sflag:s10], $0x4000  }
0x109: {  	[sflag:s10] =	ssyncset.done @!p1 $0x0  }
0x10a: {  	[sflag:s10] =	ssyncadd.s32 @!p1 $0xFFFFC000  }
0x10b: {  	_ =	swait.ge [sflag:s29], $0x80  }
0x10c: {  	[sflag:s29] =	ssyncset.done $0x0  }
0x10d: {  	s17 =	simm.s32 $0xC400;
	[sflag:s29] =	ssyncadd.s32 $0xFFFFFF80  }
0x10e: {  	[tilespmem:s17], [sflag:$0xA] =	stream.indirect.gather [hbm4b:s1+s19], $0x80, s23, s19, $0xb8;
	[tilespmem:$0x18400] =	vst v63  }
0x10f: {  	_ =	swait.ge [sflag:s31], $0x4000  }
0x110: {  	p2 =	seq.s32 s11, $0x480;
	s10 =	rddreg [dreg:$0x8];
	[sflag:s31] =	ssyncset.done $0x0  }
0x111: {  	s16 =	simm.s32 @!p2 $0x0;
	[sflag:s31] =	ssyncadd.s32 $0xFFFFC000;
	s10 =	sadd.s32 @!p2 s11, s10  }
0x112: {  	[tilespmem:s16], [sflag:$0x1] =	stream.linear.gather @!p2 [hbm4b:s10+s16], $0x80, $0x38;
	[tilespmem:$0x18400] =	vst v63  }
0x113: {  	s7 =	sadd.s32 s13, s3;
	s0 =	rddreg [dreg:$0xc];
	s10 =	simm.s32 @!p1 $0x11  }
0x114: {  	[hbm4b:s7+s4] =	stream.linear.scatter [tilespmem:s0], [sflag:$0xD], $0x4000, $0x38;
	[tilespmem:$0x18400] =	vst v63  }
0x115: {  	_ =	swait.ge @!p1 [sflag:s10], $0x4000  }
0x116: {  	[sflag:s10] =	ssyncset.done @!p1 $0x0  }
0x117: {  	[sflag:s10] =	ssyncadd.s32 @!p1 $0xFFFFC000  }
0x118: {  	_ =	swait.ge [sflag:s2], $0x80  }
0x119: {  	[sflag:s2] =	ssyncset.done $0x0  }
0x11a: {  	s15 =	simm.s32 $0x10400;
	[sflag:s2] =	ssyncadd.s32 $0xFFFFFF80  }
0x11b: {  	[tilespmem:s15], [sflag:$0xB] =	stream.indirect.gather [hbm4b:s1+s19], $0x80, s30, s19, $0xb8;
	[tilespmem:$0x18400] =	vst v63  }
0x11c: {  	_ =	swait.ge [sflag:s5], $0x4000  }
0x11d: {  	s10 =	rddreg [dreg:$0x7];
	[sflag:s5] =	ssyncset.done $0x0  }
0x11e: {  	s13 =	simm.s32 @!p2 $0x80;
	[sflag:s5] =	ssyncadd.s32 $0xFFFFC000;
	s10 =	sadd.s32 @!p2 s11, s10  }
0x11f: {  	[tilespmem:s13], [sflag:$0x2] =	stream.linear.gather @!p2 [hbm4b:s10+s16], $0x80, $0x38;
	[tilespmem:$0x18400] =	vst v63  }
0x120: {  	s10 =	sadd.s32 @!p1 $0xFFFFFFFF, s12  }
0x121: {  	s10 =	smov.u32 @p1 s9  }
0x122: {  	s9 =	sshll.u32 s10, $0xB  }
0x123: {  	s9 =	sand.u32 $0x1FFFF800, s9  }
0x124: {  	s9 =	sadd.s32 s3, s9  }
0x125: {  	[hbm4b:s9+s4] =	stream.linear.scatter [tilespmem:s25], [sflag:$0xE], $0x4000, $0x38;
	[tilespmem:$0x18400] =	vst v63  }
0x126: {  	s9 =	simm.s32 @!p1 $0x12  }
0x127: {  	_ =	swait.ge @!p1 [sflag:s9], $0x4000  }
0x128: {  	[sflag:s9] =	ssyncset.done @!p1 $0x0  }
0x129: {  	[sflag:s9] =	ssyncadd.s32 @!p1 $0xFFFFC000  }
0x12a: {  	_ =	swait.ge [sflag:s6], $0x80  }
0x12b: {  	s18 =	simm.s32 $0x14400;
	[sflag:s6] =	ssyncset.done $0x0  }
0x12c: {  	s13 =	simm.s32 $0x280;
	s12 =	smov.u32 @p1 s14;
	[sflag:s6] =	ssyncadd.s32 $0xFFFFFF80  }
0x12d: {  	[tilespmem:s18], [sflag:$0xC] =	stream.indirect.gather [hbm4b:s1+s19], $0x80, s13, s19, $0xb8;
	[tilespmem:$0x18400] =	vst v63  }
0x12e: {  	s20 =	sshll.u32 s12, $0xB;
	_ =	swait.ge [sflag:s8], $0x4000  }
0x12f: {  	s10 =	sand.u32 $0x1FFFF000, s20;
	s9 =	rddreg [dreg:$0x6];
	[sflag:s8] =	ssyncset.done $0x0  }
0x130: {  	s9 =	sadd.s32 @!p2 s11, s9;
	s11 =	simm.s32 @!p2 $0x100;
	[sflag:s8] =	ssyncadd.s32 $0xFFFFC000  }
0x131: {  	[tilespmem:s11], [sflag:$0x3] =	stream.linear.gather @!p2 [hbm4b:s9+s16], $0x80, $0x38;
	[tilespmem:$0x18400] =	vst v63  }
0x132: {  	s22 =	simm.s32 $0xA;
	s21 =	sadd.s32 s3, s10  }
0x133: {  	[hbm4b:s21+s4] =	stream.linear.scatter [tilespmem:s28], [sflag:$0xF], $0x4000, $0x38;
	[tilespmem:$0x18400] =	vst v63  }
0x134: {  	_ =	swait.ge [sflag:s22], $0x4000  }
0x135: {  	[sflag:s22] =	ssyncset.done $0x0  }
0x136: {  	s9 =	simm.s32 $0xB;
	s0 =	rddreg [dreg:$0x13];
	[sflag:s22] =	ssyncadd.s32 $0xFFFFC000  }
0x137: {  	[hbm4b:s0+s4] =	stream.linear.scatter [tilespmem:s17], [sflag:$0x10], $0x4000, $0x38;
	[tilespmem:$0x18400] =	vst v63  }
0x138: {  	_ =	swait.ge [sflag:s9], $0x4000  }
0x139: {  	[sflag:s9] =	ssyncset.done $0x0  }
0x13a: {  	s11 =	simm.s32 $0xC;
	s10 =	rddreg [dreg:$0x14];
	[sflag:s9] =	ssyncadd.s32 $0xFFFFC000  }
0x13b: {  	[hbm4b:s10+s4] =	stream.linear.scatter [tilespmem:s15], [sflag:$0x11], $0x4000, $0x38;
	[tilespmem:$0x18400] =	vst v63  }
0x13c: {  	_ =	swait.ge [sflag:s11], $0x4000  }
0x13d: {  	[sflag:s11] =	ssyncset.done $0x0  }
0x13e: {  	s13 =	simm.s32 $0xD;
	s12 =	rddreg [dreg:$0x15];
	[sflag:s11] =	ssyncadd.s32 $0xFFFFC000  }
0x13f: {  	[hbm4b:s12+s4] =	stream.linear.scatter [tilespmem:s18], [sflag:$0x12], $0x4000, $0x38;
	[tilespmem:$0x18400] =	vst v63  }
0x140: {  	_ =	swait.ge [sflag:s13], $0x4000  }
0x141: {  	[sflag:s13] =	ssyncset.done $0x0  }
0x142: {  	s14 =	simm.s32 $0xE;
	[sflag:s13] =	ssyncadd.s32 $0xFFFFC000  }
0x143: {  	_ =	swait.ge [sflag:s14], $0x4000  }
0x144: {  	[sflag:s14] =	ssyncset.done $0x0  }
0x145: {  	s15 =	simm.s32 $0xF;
	[sflag:s14] =	ssyncadd.s32 $0xFFFFC000  }
0x146: {  	_ =	swait.ge [sflag:s15], $0x4000  }
0x147: {  	[sflag:s15] =	ssyncset.done $0x0  }
0x148: {  	s16 =	simm.s32 $0x10;
	[sflag:s15] =	ssyncadd.s32 $0xFFFFC000  }
0x149: {  	_ =	swait.ge [sflag:s16], $0x4000  }
0x14a: {  	[sflag:s16] =	ssyncset.done $0x0  }
0x14b: {  	s17 =	simm.s32 $0x11;
	[sflag:s16] =	ssyncadd.s32 $0xFFFFC000  }
0x14c: {  	_ =	swait.ge [sflag:s17], $0x4000  }
0x14d: {  	[sflag:s17] =	ssyncset.done $0x0  }
0x14e: {  	s18 =	simm.s32 $0x12;
	[sflag:s17] =	ssyncadd.s32 $0xFFFFC000  }
0x14f: {  	_ =	swait.ge [sflag:s18], $0x4000  }
0x150: {  	[sflag:s18] =	ssyncset.done $0x0  }
0x151: {  	s9 =	simm.s32 @!p0 $0x0;
	s10 =	rddreg [dreg:$0x16];
	[sflag:s18] =	ssyncadd.s32 $0xFFFFC000  }
0x152: {  	[tilespmem:s9], [sflag:$0x13] =	stream.linear.gather @!p0 [hbm4b:s10+s9], $0x80, $0x38;
	[tilespmem:$0x18400] =	vst v63  }
0x153: {  	s10 =	simm.s32 @!p0 $0x13  }
0x154: {  	_ =	swait.ge @!p0 [sflag:s10], $0x80  }
0x155: {  	[sflag:s10] =	ssyncset.done @!p0 $0x0  }
0x156: {  	s11 =	simm.s32 @!p0 $0x80;
	s12 =	simm.s32 @!p0 $0x400;
	[sflag:s10] =	ssyncadd.s32 @!p0 $0xFFFFFF80  }
0x157: {  	[tilespmem:s12], [sflag:$0x7] =	stream.indirect.gather @!p0 [hbm4b:s1+s11], $0x80, s9, s11, $0xb8;
	[tilespmem:$0x18400] =	vst v63  }
0x158: {  	s11 =	simm.s32 @!p0 $0x7  }
0x159: {  	_ =	swait.ge @!p0 [sflag:s11], $0x4000  }
0x15a: {  	[sflag:s11] =	ssyncset.done @!p0 $0x0  }
0x15b: {  	[sflag:s11] =	ssyncadd.s32 @!p0 $0xFFFFC000;
	s11 =	rddreg [dreg:$0x17]  }
0x15c: {  	[hbm4b:s11+s9] =	stream.linear.scatter @!p0 [tilespmem:s12], [sflag:$0x13], $0x4000, $0x38;
	[tilespmem:$0x18400] =	vst v63  }
0x15d: {  	_ =	swait.ge @!p0 [sflag:s10], $0x4000  }
0x15e: {  	s20 =	rddreg [dreg:$0x1b]  }
0x15f: {  	s21 =	rddreg [dreg:$0x18];
	s11 =	sadd.s32 $0x1, s20  }
0x160: {  	p1 =	sne.s32 s11, s21  }
.Ltmp1:
0x161: {  	_ = 	snop;
	(pc) =	sbr.rel @p1 .LBB2_1-.Ltmp1, $3  }
0x162: {  	_ =	sdelay $0x1  }
0x163: {  	s7 =	simm.s32 $0xC400;
	[sflag:s10] =	ssyncset.done @!p0 $0x0  }
0x164: {  	s22 =	simm.s32 $0x14400;
	s0 =	simm.s32 $0x10400;
	[sflag:s10] =	ssyncadd.s32 @!p0 $0xFFFFC000  }
0x165: {  	_ =	sfence.sel $0x180000  }
0x166: {  	[bflag:$0x0] =	sbarrier.arrive $0xFFFF  }
0x167: {  	_ =	strace $0x90000047  }
0x168: {  	s0 =	stileid.u32;
	[bflag:$0x2] =	sbarrier.arrive $0xFFFF  }
0x169: {  	p0 =	sne.s32 s0, $0x0;
	s0 =	rddreg [dreg:$0x3]  }
0x16a: {  	s0 =	sadd.s32 @!p0 $0x100000, s0  }
0x16b: {  	[sflag:s0] =	ssyncadd.tile.s32 @!p0 $0x1;
	_ =	shalt  }
.Lfunc_end2:
_tile_overlayer_lowered:
.L_overlay_start_2:
0x16c: {  	(tag) =	ssettag $0x2  }
0x16d: {  	s0 =	rddreg [dreg:$0x0];
	s2 =	stileid.u32  }
0x16e: {  	s1 =	rddreg [dreg:$0x1];
	p0 =	sne.s32 s2, $0x0  }
0x16f: {  	s3 =	rddreg [dreg:$0x2];
	[bflag:$0x3] =	sbarrier.arrive $0xFFFF;
	s2 =	simm.s32 @!p0 $0x1C13  }
0x170: {  	[timem:s3], [sflag:s2] =	dma.local @!p0 [hbm:s0], s1  }
0x171: {  	s0 =	simm.s32 @!p0 $0x13  }
0x172: {  	_ =	swait.ge @!p0 [sflag:s0], s1  }
0x173: {  	s1 =	ssub.s32 @!p0 $0x0, s1;
	[sflag:s0] =	ssyncset.done @!p0 $0x0  }
0x174: {  	[sflag:s0] =	ssyncadd.s32 @!p0 s1  }
0x175: {  	[bflag:$0x3] =	sbarrier.arrive $0xFFFF  }
0x176: {  	_ =	shalt  }

</sc_bundles>
